<compile_context>
chip_gen: v7x
topology: tpu7x:2x2x1
jax: 0.10.2.dev20260603
libtpu: 0.0.44.dev20260713+nightly
codegen_flags: <defaults>
</compile_context>

<pallas_src>
import functools

import jax
import jax.numpy as jnp
from jax import lax
from jax.experimental import pallas as pl
from jax.experimental.pallas import tpu as pltpu
from jax.experimental.pallas import tpu_sc as plsc

NUM_VIRTUAL_TOKENS = 200
TOKEN_DIM = 128
BATCH = 1024

NC = 2
NS = 16
NW = NC * NS

B_TOTAL = BATCH * NUM_VIRTUAL_TOKENS
B_PER_W = B_TOTAL // NW
CHUNK = 320
N_CHUNKS = B_PER_W // CHUNK
NBUF = 2


@functools.partial(
    pl.kernel,
    out_type=jax.ShapeDtypeStruct((B_TOTAL, TOKEN_DIM), jnp.float32),
    mesh=plsc.VectorSubcoreMesh(
        core_axis_name="c", subcore_axis_name="s", num_cores=NC,
        num_subcores=NS),
    scratch_types=[
        pltpu.VMEM_SHARED((NUM_VIRTUAL_TOKENS, TOKEN_DIM), jnp.float32),
        [pltpu.VMEM((CHUNK,), jnp.int32) for _ in range(N_CHUNKS)],
        [pltpu.VMEM((CHUNK, TOKEN_DIM), jnp.float32) for _ in range(NBUF)],
        pltpu.SemaphoreType.DMA,
        pltpu.SemaphoreType.DMA,
        pltpu.SemaphoreType.DMA,
    ],
)
def _gather_kernel(idx_hbm, table_hbm, out_hbm, w_v, idx_v, rows_v, i_sem,
                   g_sem, s_sem):
    wid = lax.axis_index("s") * NC + lax.axis_index("c")
    out_base = wid * B_PER_W

    @pl.when(lax.axis_index("s") == 0)
    def _():
        pltpu.sync_copy(table_hbm, w_v)

    idx_copies = [
        pltpu.async_copy(idx_hbm.at[wid, i], idx_v[i], i_sem)
        for i in range(N_CHUNKS)
    ]
    plsc.subcore_barrier()

    def start_gather(i):
        idx_copies[i].wait()
        return pltpu.async_copy(w_v.at[idx_v[i]], rows_v[i % NBUF], g_sem)

    gathers = [None] * N_CHUNKS
    scatters = [None] * N_CHUNKS
    for i in range(NBUF - 1):
        gathers[i] = start_gather(i)
    for i in range(N_CHUNKS):
        if i + NBUF - 1 < N_CHUNKS:
            if i >= 1:
                scatters[i - 1].wait()
            gathers[i + NBUF - 1] = start_gather(i + NBUF - 1)
        gathers[i].wait()
        scatters[i] = pltpu.async_copy(
            rows_v[i % NBUF], out_hbm.at[pl.ds(out_base + i * CHUNK, CHUNK)],
            s_sem)
    for i in range(N_CHUNKS - NBUF, N_CHUNKS):
        scatters[i].wait()


def kernel(indices, W):
    idx = indices.reshape(NW, N_CHUNKS, CHUNK).astype(jnp.int32)
    out = _gather_kernel(idx, W)
    return out.reshape(BATCH, NUM_VIRTUAL_TOKENS, TOKEN_DIM)

# --- scband reference (transcript-rebuilt; emitter-appended) ---
"""Pipeline reference for scband-prompt-embedding-85864986181742 (READ-ONLY COPY).

The authoritative reference and input builder live on the scoring server;
editing this copy changes nothing except your own understanding.
"""

import jax, jax.numpy as jnp
import numpy as np

NUM_VIRTUAL_TOKENS = 200
TOKEN_DIM = 128
BATCH = 1024


def setup_inputs(seed: int = 0) -> dict:
    key = jax.random.key(seed)
    k_idx, k_w = jax.random.split(key)
    indices = jax.random.randint(k_idx, (BATCH, NUM_VIRTUAL_TOKENS), 0, NUM_VIRTUAL_TOKENS, dtype=jnp.int64 if jax.config.read('jax_enable_x64') else jnp.int32)
    W = jax.random.normal(k_w, (NUM_VIRTUAL_TOKENS, TOKEN_DIM), dtype=jnp.float32)
    return {"indices": indices, "W": W}


def reference(indices, W):
    # PromptEmbedding.forward: self.embedding(indices) -> gather rows of the table
    prompt_embeddings = jnp.take(W, indices, axis=0)
    return prompt_embeddings

if __name__ == "__main__":
    import jax
    _d = setup_inputs()
    print(jax.jit(kernel)(*tuple(_d.values())))

</pallas_src>

<mosaic_0001>
#map = affine_map<(d0, d1) -> (0, 0, 0)>
#map1 = affine_map<(d0, d1) -> (0, 0)>
module attributes {stable_mosaic.version = 14 : i64} {
  func.func @_gather_kernel(%arg0: i32, %arg1: i32, %arg2: memref<32x20x320xi32, #tpu.memory_space<hbm>>, %arg3: memref<200x128xf32, #tpu.memory_space<hbm>>, %arg4: memref<204800x128xf32, #tpu.memory_space<hbm>>, %arg5: memref<200x128xf32, #tpu.memory_space<vmem_shared>>, %arg6: memref<320xi32, #tpu.memory_space<vmem>>, %arg7: memref<320xi32, #tpu.memory_space<vmem>>, %arg8: memref<320xi32, #tpu.memory_space<vmem>>, %arg9: memref<320xi32, #tpu.memory_space<vmem>>, %arg10: memref<320xi32, #tpu.memory_space<vmem>>, %arg11: memref<320xi32, #tpu.memory_space<vmem>>, %arg12: memref<320xi32, #tpu.memory_space<vmem>>, %arg13: memref<320xi32, #tpu.memory_space<vmem>>, %arg14: memref<320xi32, #tpu.memory_space<vmem>>, %arg15: memref<320xi32, #tpu.memory_space<vmem>>, %arg16: memref<320xi32, #tpu.memory_space<vmem>>, %arg17: memref<320xi32, #tpu.memory_space<vmem>>, %arg18: memref<320xi32, #tpu.memory_space<vmem>>, %arg19: memref<320xi32, #tpu.memory_space<vmem>>, %arg20: memref<320xi32, #tpu.memory_space<vmem>>, %arg21: memref<320xi32, #tpu.memory_space<vmem>>, %arg22: memref<320xi32, #tpu.memory_space<vmem>>, %arg23: memref<320xi32, #tpu.memory_space<vmem>>, %arg24: memref<320xi32, #tpu.memory_space<vmem>>, %arg25: memref<320xi32, #tpu.memory_space<vmem>>, %arg26: memref<320x128xf32, #tpu.memory_space<vmem>>, %arg27: memref<320x128xf32, #tpu.memory_space<vmem>>, %arg28: memref<!tpu.dma_semaphore, #tpu.memory_space<semaphore_mem>>, %arg29: memref<!tpu.dma_semaphore, #tpu.memory_space<semaphore_mem>>, %arg30: memref<!tpu.dma_semaphore, #tpu.memory_space<semaphore_mem>>) attributes {dimension_semantics = [#tpu.dimension_semantics<core_parallel>, #tpu.dimension_semantics<subcore_parallel>], iteration_bounds = array<i64: 2, 16>, scalar_prefetch = 0 : i64, scratch_operands = 26 : i64, tpu.core_type = #tpu.core_type<sc_vector_subcore>, window_params = [{transform_indices = #map}, {transform_indices = #map1}, {transform_indices = #map1}]} {
    %mul3A = arith.constant 2 : i32
    %mul3A_0 = arith.muli %arg1, %mul3A : i32
    %add3A = arith.addi %mul3A_0, %arg0 : i32
    %mul3A_1 = arith.constant 6400 : i32
    %mul3A_2 = arith.muli %add3A, %mul3A_1 : i32
    %eq3A = arith.constant 0 : i32
    %eq3A_3 = arith.cmpi eq, %arg1, %eq3A : i32
    %convert_element_type3A = arith.extui %eq3A_3 : i1 to i32
    %cond3A = arith.constant 0 : i32
    %cond3A_4 = arith.cmpi ne, %convert_element_type3A, %cond3A : i32
    scf.if %cond3A_4 {
      "tpu.region"() ({
        %run_scoped3A = tpu.sem_alloc : memref<!tpu.dma_semaphore, #tpu.memory_space<semaphore_mem>>
        tpu.enqueue_dma source(%arg3 : memref<200x128xf32, #tpu.memory_space<hbm>>) target(%arg5 : memref<200x128xf32, #tpu.memory_space<vmem_shared>>) target_semaphore(%run_scoped3A : memref<!tpu.dma_semaphore, #tpu.memory_space<semaphore_mem>>)
        tpu.wait_dma2 semaphore(%run_scoped3A : memref<!tpu.dma_semaphore, #tpu.memory_space<semaphore_mem>>) src(%arg3 : memref<200x128xf32, #tpu.memory_space<hbm>>) dst(%arg5 : memref<200x128xf32, #tpu.memory_space<vmem_shared>>)
        tpu.yield
      }) : () -> ()
    } else {
    }
    %dma_start3A = arith.constant 0 : i32
    %dma_start3A_5 = arith.constant 0 : i32
    %dma_start3A_6 = tpu.memref_slice %arg2[%add3A, %dma_start3A, %dma_start3A_5] : memref<32x20x320xi32, #tpu.memory_space<hbm>> -> memref<1x1x320xi32, #tpu.memory_space<hbm>>
    %dma_start3A_7 = tpu.memref_squeeze %dma_start3A_6 : memref<1x1x320xi32, #tpu.memory_space<hbm>> -> memref<320xi32, #tpu.memory_space<hbm>>
    %dma_start3A_8 = arith.constant 0 : i32
    %dma_start3A_9 = tpu.memref_slice %arg2[%add3A, %dma_start3A, %dma_start3A_8] : memref<32x20x320xi32, #tpu.memory_space<hbm>> -> memref<1x1x320xi32, #tpu.memory_space<hbm>>
    %dma_start3A_10 = tpu.memref_squeeze %dma_start3A_9 : memref<1x1x320xi32, #tpu.memory_space<hbm>> -> memref<320xi32, #tpu.memory_space<hbm>>
    tpu.enqueue_dma source(%dma_start3A_10 : memref<320xi32, #tpu.memory_space<hbm>>) target(%arg6 : memref<320xi32, #tpu.memory_space<vmem>>) target_semaphore(%arg28 : memref<!tpu.dma_semaphore, #tpu.memory_space<semaphore_mem>>)
    %dma_start3A_11 = arith.constant 1 : i32
    %dma_start3A_12 = arith.constant 0 : i32
    %dma_start3A_13 = tpu.memref_slice %arg2[%add3A, %dma_start3A_11, %dma_start3A_12] : memref<32x20x320xi32, #tpu.memory_space<hbm>> -> memref<1x1x320xi32, #tpu.memory_space<hbm>>
    %dma_start3A_14 = tpu.memref_squeeze %dma_start3A_13 : memref<1x1x320xi32, #tpu.memory_space<hbm>> -> memref<320xi32, #tpu.memory_space<hbm>>
    %dma_start3A_15 = arith.constant 0 : i32
    %dma_start3A_16 = tpu.memref_slice %arg2[%add3A, %dma_start3A_11, %dma_start3A_15] : memref<32x20x320xi32, #tpu.memory_space<hbm>> -> memref<1x1x320xi32, #tpu.memory_space<hbm>>
    %dma_start3A_17 = tpu.memref_squeeze %dma_start3A_16 : memref<1x1x320xi32, #tpu.memory_space<hbm>> -> memref<320xi32, #tpu.memory_space<hbm>>
    tpu.enqueue_dma source(%dma_start3A_17 : memref<320xi32, #tpu.memory_space<hbm>>) target(%arg7 : memref<320xi32, #tpu.memory_space<vmem>>) target_semaphore(%arg28 : memref<!tpu.dma_semaphore, #tpu.memory_space<semaphore_mem>>)
    %dma_start3A_18 = arith.constant 2 : i32
    %dma_start3A_19 = arith.constant 0 : i32
    %dma_start3A_20 = tpu.memref_slice %arg2[%add3A, %dma_start3A_18, %dma_start3A_19] : memref<32x20x320xi32, #tpu.memory_space<hbm>> -> memref<1x1x320xi32, #tpu.memory_space<hbm>>
    %dma_start3A_21 = tpu.memref_squeeze %dma_start3A_20 : memref<1x1x320xi32, #tpu.memory_space<hbm>> -> memref<320xi32, #tpu.memory_space<hbm>>
    %dma_start3A_22 = arith.constant 0 : i32
    %dma_start3A_23 = tpu.memref_slice %arg2[%add3A, %dma_start3A_18, %dma_start3A_22] : memref<32x20x320xi32, #tpu.memory_space<hbm>> -> memref<1x1x320xi32, #tpu.memory_space<hbm>>
    %dma_start3A_24 = tpu.memref_squeeze %dma_start3A_23 : memref<1x1x320xi32, #tpu.memory_space<hbm>> -> memref<320xi32, #tpu.memory_space<hbm>>
    tpu.enqueue_dma source(%dma_start3A_24 : memref<320xi32, #tpu.memory_space<hbm>>) target(%arg8 : memref<320xi32, #tpu.memory_space<vmem>>) target_semaphore(%arg28 : memref<!tpu.dma_semaphore, #tpu.memory_space<semaphore_mem>>)
    %dma_start3A_25 = arith.constant 3 : i32
    %dma_start3A_26 = arith.constant 0 : i32
    %dma_start3A_27 = tpu.memref_slice %arg2[%add3A, %dma_start3A_25, %dma_start3A_26] : memref<32x20x320xi32, #tpu.memory_space<hbm>> -> memref<1x1x320xi32, #tpu.memory_space<hbm>>
    %dma_start3A_28 = tpu.memref_squeeze %dma_start3A_27 : memref<1x1x320xi32, #tpu.memory_space<hbm>> -> memref<320xi32, #tpu.memory_space<hbm>>
    %dma_start3A_29 = arith.constant 0 : i32
    %dma_start3A_30 = tpu.memref_slice %arg2[%add3A, %dma_start3A_25, %dma_start3A_29] : memref<32x20x320xi32, #tpu.memory_space<hbm>> -> memref<1x1x320xi32, #tpu.memory_space<hbm>>
    %dma_start3A_31 = tpu.memref_squeeze %dma_start3A_30 : memref<1x1x320xi32, #tpu.memory_space<hbm>> -> memref<320xi32, #tpu.memory_space<hbm>>
    tpu.enqueue_dma source(%dma_start3A_31 : memref<320xi32, #tpu.memory_space<hbm>>) target(%arg9 : memref<320xi32, #tpu.memory_space<vmem>>) target_semaphore(%arg28 : memref<!tpu.dma_semaphore, #tpu.memory_space<semaphore_mem>>)
    %dma_start3A_32 = arith.constant 4 : i32
    %dma_start3A_33 = arith.constant 0 : i32
    %dma_start3A_34 = tpu.memref_slice %arg2[%add3A, %dma_start3A_32, %dma_start3A_33] : memref<32x20x320xi32, #tpu.memory_space<hbm>> -> memref<1x1x320xi32, #tpu.memory_space<hbm>>
    %dma_start3A_35 = tpu.memref_squeeze %dma_start3A_34 : memref<1x1x320xi32, #tpu.memory_space<hbm>> -> memref<320xi32, #tpu.memory_space<hbm>>
    %dma_start3A_36 = arith.constant 0 : i32
    %dma_start3A_37 = tpu.memref_slice %arg2[%add3A, %dma_start3A_32, %dma_start3A_36] : memref<32x20x320xi32, #tpu.memory_space<hbm>> -> memref<1x1x320xi32, #tpu.memory_space<hbm>>
    %dma_start3A_38 = tpu.memref_squeeze %dma_start3A_37 : memref<1x1x320xi32, #tpu.memory_space<hbm>> -> memref<320xi32, #tpu.memory_space<hbm>>
    tpu.enqueue_dma source(%dma_start3A_38 : memref<320xi32, #tpu.memory_space<hbm>>) target(%arg10 : memref<320xi32, #tpu.memory_space<vmem>>) target_semaphore(%arg28 : memref<!tpu.dma_semaphore, #tpu.memory_space<semaphore_mem>>)
    %dma_start3A_39 = arith.constant 5 : i32
    %dma_start3A_40 = arith.constant 0 : i32
    %dma_start3A_41 = tpu.memref_slice %arg2[%add3A, %dma_start3A_39, %dma_start3A_40] : memref<32x20x320xi32, #tpu.memory_space<hbm>> -> memref<1x1x320xi32, #tpu.memory_space<hbm>>
    %dma_start3A_42 = tpu.memref_squeeze %dma_start3A_41 : memref<1x1x320xi32, #tpu.memory_space<hbm>> -> memref<320xi32, #tpu.memory_space<hbm>>
    %dma_start3A_43 = arith.constant 0 : i32
    %dma_start3A_44 = tpu.memref_slice %arg2[%add3A, %dma_start3A_39, %dma_start3A_43] : memref<32x20x320xi32, #tpu.memory_space<hbm>> -> memref<1x1x320xi32, #tpu.memory_space<hbm>>
    %dma_start3A_45 = tpu.memref_squeeze %dma_start3A_44 : memref<1x1x320xi32, #tpu.memory_space<hbm>> -> memref<320xi32, #tpu.memory_space<hbm>>
    tpu.enqueue_dma source(%dma_start3A_45 : memref<320xi32, #tpu.memory_space<hbm>>) target(%arg11 : memref<320xi32, #tpu.memory_space<vmem>>) target_semaphore(%arg28 : memref<!tpu.dma_semaphore, #tpu.memory_space<semaphore_mem>>)
    %dma_start3A_46 = arith.constant 6 : i32
    %dma_start3A_47 = arith.constant 0 : i32
    %dma_start3A_48 = tpu.memref_slice %arg2[%add3A, %dma_start3A_46, %dma_start3A_47] : memref<32x20x320xi32, #tpu.memory_space<hbm>> -> memref<1x1x320xi32, #tpu.memory_space<hbm>>
    %dma_start3A_49 = tpu.memref_squeeze %dma_start3A_48 : memref<1x1x320xi32, #tpu.memory_space<hbm>> -> memref<320xi32, #tpu.memory_space<hbm>>
    %dma_start3A_50 = arith.constant 0 : i32
    %dma_start3A_51 = tpu.memref_slice %arg2[%add3A, %dma_start3A_46, %dma_start3A_50] : memref<32x20x320xi32, #tpu.memory_space<hbm>> -> memref<1x1x320xi32, #tpu.memory_space<hbm>>
    %dma_start3A_52 = tpu.memref_squeeze %dma_start3A_51 : memref<1x1x320xi32, #tpu.memory_space<hbm>> -> memref<320xi32, #tpu.memory_space<hbm>>
    tpu.enqueue_dma source(%dma_start3A_52 : memref<320xi32, #tpu.memory_space<hbm>>) target(%arg12 : memref<320xi32, #tpu.memory_space<vmem>>) target_semaphore(%arg28 : memref<!tpu.dma_semaphore, #tpu.memory_space<semaphore_mem>>)
    %dma_start3A_53 = arith.constant 7 : i32
    %dma_start3A_54 = arith.constant 0 : i32
    %dma_start3A_55 = tpu.memref_slice %arg2[%add3A, %dma_start3A_53, %dma_start3A_54] : memref<32x20x320xi32, #tpu.memory_space<hbm>> -> memref<1x1x320xi32, #tpu.memory_space<hbm>>
    %dma_start3A_56 = tpu.memref_squeeze %dma_start3A_55 : memref<1x1x320xi32, #tpu.memory_space<hbm>> -> memref<320xi32, #tpu.memory_space<hbm>>
    %dma_start3A_57 = arith.constant 0 : i32
    %dma_start3A_58 = tpu.memref_slice %arg2[%add3A, %dma_start3A_53, %dma_start3A_57] : memref<32x20x320xi32, #tpu.memory_space<hbm>> -> memref<1x1x320xi32, #tpu.memory_space<hbm>>
    %dma_start3A_59 = tpu.memref_squeeze %dma_start3A_58 : memref<1x1x320xi32, #tpu.memory_space<hbm>> -> memref<320xi32, #tpu.memory_space<hbm>>
    tpu.enqueue_dma source(%dma_start3A_59 : memref<320xi32, #tpu.memory_space<hbm>>) target(%arg13 : memref<320xi32, #tpu.memory_space<vmem>>) target_semaphore(%arg28 : memref<!tpu.dma_semaphore, #tpu.memory_space<semaphore_mem>>)
    %dma_start3A_60 = arith.constant 8 : i32
    %dma_start3A_61 = arith.constant 0 : i32
    %dma_start3A_62 = tpu.memref_slice %arg2[%add3A, %dma_start3A_60, %dma_start3A_61] : memref<32x20x320xi32, #tpu.memory_space<hbm>> -> memref<1x1x320xi32, #tpu.memory_space<hbm>>
    %dma_start3A_63 = tpu.memref_squeeze %dma_start3A_62 : memref<1x1x320xi32, #tpu.memory_space<hbm>> -> memref<320xi32, #tpu.memory_space<hbm>>
    %dma_start3A_64 = arith.constant 0 : i32
    %dma_start3A_65 = tpu.memref_slice %arg2[%add3A, %dma_start3A_60, %dma_start3A_64] : memref<32x20x320xi32, #tpu.memory_space<hbm>> -> memref<1x1x320xi32, #tpu.memory_space<hbm>>
    %dma_start3A_66 = tpu.memref_squeeze %dma_start3A_65 : memref<1x1x320xi32, #tpu.memory_space<hbm>> -> memref<320xi32, #tpu.memory_space<hbm>>
    tpu.enqueue_dma source(%dma_start3A_66 : memref<320xi32, #tpu.memory_space<hbm>>) target(%arg14 : memref<320xi32, #tpu.memory_space<vmem>>) target_semaphore(%arg28 : memref<!tpu.dma_semaphore, #tpu.memory_space<semaphore_mem>>)
    %dma_start3A_67 = arith.constant 9 : i32
    %dma_start3A_68 = arith.constant 0 : i32
    %dma_start3A_69 = tpu.memref_slice %arg2[%add3A, %dma_start3A_67, %dma_start3A_68] : memref<32x20x320xi32, #tpu.memory_space<hbm>> -> memref<1x1x320xi32, #tpu.memory_space<hbm>>
    %dma_start3A_70 = tpu.memref_squeeze %dma_start3A_69 : memref<1x1x320xi32, #tpu.memory_space<hbm>> -> memref<320xi32, #tpu.memory_space<hbm>>
    %dma_start3A_71 = arith.constant 0 : i32
    %dma_start3A_72 = tpu.memref_slice %arg2[%add3A, %dma_start3A_67, %dma_start3A_71] : memref<32x20x320xi32, #tpu.memory_space<hbm>> -> memref<1x1x320xi32, #tpu.memory_space<hbm>>
    %dma_start3A_73 = tpu.memref_squeeze %dma_start3A_72 : memref<1x1x320xi32, #tpu.memory_space<hbm>> -> memref<320xi32, #tpu.memory_space<hbm>>
    tpu.enqueue_dma source(%dma_start3A_73 : memref<320xi32, #tpu.memory_space<hbm>>) target(%arg15 : memref<320xi32, #tpu.memory_space<vmem>>) target_semaphore(%arg28 : memref<!tpu.dma_semaphore, #tpu.memory_space<semaphore_mem>>)
    %dma_start3A_74 = arith.constant 10 : i32
    %dma_start3A_75 = arith.constant 0 : i32
    %dma_start3A_76 = tpu.memref_slice %arg2[%add3A, %dma_start3A_74, %dma_start3A_75] : memref<32x20x320xi32, #tpu.memory_space<hbm>> -> memref<1x1x320xi32, #tpu.memory_space<hbm>>
    %dma_start3A_77 = tpu.memref_squeeze %dma_start3A_76 : memref<1x1x320xi32, #tpu.memory_space<hbm>> -> memref<320xi32, #tpu.memory_space<hbm>>
    %dma_start3A_78 = arith.constant 0 : i32
    %dma_start3A_79 = tpu.memref_slice %arg2[%add3A, %dma_start3A_74, %dma_start3A_78] : memref<32x20x320xi32, #tpu.memory_space<hbm>> -> memref<1x1x320xi32, #tpu.memory_space<hbm>>
    %dma_start3A_80 = tpu.memref_squeeze %dma_start3A_79 : memref<1x1x320xi32, #tpu.memory_space<hbm>> -> memref<320xi32, #tpu.memory_space<hbm>>
    tpu.enqueue_dma source(%dma_start3A_80 : memref<320xi32, #tpu.memory_space<hbm>>) target(%arg16 : memref<320xi32, #tpu.memory_space<vmem>>) target_semaphore(%arg28 : memref<!tpu.dma_semaphore, #tpu.memory_space<semaphore_mem>>)
    %dma_start3A_81 = arith.constant 11 : i32
    %dma_start3A_82 = arith.constant 0 : i32
    %dma_start3A_83 = tpu.memref_slice %arg2[%add3A, %dma_start3A_81, %dma_start3A_82] : memref<32x20x320xi32, #tpu.memory_space<hbm>> -> memref<1x1x320xi32, #tpu.memory_space<hbm>>
    %dma_start3A_84 = tpu.memref_squeeze %dma_start3A_83 : memref<1x1x320xi32, #tpu.memory_space<hbm>> -> memref<320xi32, #tpu.memory_space<hbm>>
    %dma_start3A_85 = arith.constant 0 : i32
    %dma_start3A_86 = tpu.memref_slice %arg2[%add3A, %dma_start3A_81, %dma_start3A_85] : memref<32x20x320xi32, #tpu.memory_space<hbm>> -> memref<1x1x320xi32, #tpu.memory_space<hbm>>
    %dma_start3A_87 = tpu.memref_squeeze %dma_start3A_86 : memref<1x1x320xi32, #tpu.memory_space<hbm>> -> memref<320xi32, #tpu.memory_space<hbm>>
    tpu.enqueue_dma source(%dma_start3A_87 : memref<320xi32, #tpu.memory_space<hbm>>) target(%arg17 : memref<320xi32, #tpu.memory_space<vmem>>) target_semaphore(%arg28 : memref<!tpu.dma_semaphore, #tpu.memory_space<semaphore_mem>>)
    %dma_start3A_88 = arith.constant 12 : i32
    %dma_start3A_89 = arith.constant 0 : i32
    %dma_start3A_90 = tpu.memref_slice %arg2[%add3A, %dma_start3A_88, %dma_start3A_89] : memref<32x20x320xi32, #tpu.memory_space<hbm>> -> memref<1x1x320xi32, #tpu.memory_space<hbm>>
    %dma_start3A_91 = tpu.memref_squeeze %dma_start3A_90 : memref<1x1x320xi32, #tpu.memory_space<hbm>> -> memref<320xi32, #tpu.memory_space<hbm>>
    %dma_start3A_92 = arith.constant 0 : i32
    %dma_start3A_93 = tpu.memref_slice %arg2[%add3A, %dma_start3A_88, %dma_start3A_92] : memref<32x20x320xi32, #tpu.memory_space<hbm>> -> memref<1x1x320xi32, #tpu.memory_space<hbm>>
    %dma_start3A_94 = tpu.memref_squeeze %dma_start3A_93 : memref<1x1x320xi32, #tpu.memory_space<hbm>> -> memref<320xi32, #tpu.memory_space<hbm>>
    tpu.enqueue_dma source(%dma_start3A_94 : memref<320xi32, #tpu.memory_space<hbm>>) target(%arg18 : memref<320xi32, #tpu.memory_space<vmem>>) target_semaphore(%arg28 : memref<!tpu.dma_semaphore, #tpu.memory_space<semaphore_mem>>)
    %dma_start3A_95 = arith.constant 13 : i32
    %dma_start3A_96 = arith.constant 0 : i32
    %dma_start3A_97 = tpu.memref_slice %arg2[%add3A, %dma_start3A_95, %dma_start3A_96] : memref<32x20x320xi32, #tpu.memory_space<hbm>> -> memref<1x1x320xi32, #tpu.memory_space<hbm>>
    %dma_start3A_98 = tpu.memref_squeeze %dma_start3A_97 : memref<1x1x320xi32, #tpu.memory_space<hbm>> -> memref<320xi32, #tpu.memory_space<hbm>>
    %dma_start3A_99 = arith.constant 0 : i32
    %dma_start3A_100 = tpu.memref_slice %arg2[%add3A, %dma_start3A_95, %dma_start3A_99] : memref<32x20x320xi32, #tpu.memory_space<hbm>> -> memref<1x1x320xi32, #tpu.memory_space<hbm>>
    %dma_start3A_101 = tpu.memref_squeeze %dma_start3A_100 : memref<1x1x320xi32, #tpu.memory_space<hbm>> -> memref<320xi32, #tpu.memory_space<hbm>>
    tpu.enqueue_dma source(%dma_start3A_101 : memref<320xi32, #tpu.memory_space<hbm>>) target(%arg19 : memref<320xi32, #tpu.memory_space<vmem>>) target_semaphore(%arg28 : memref<!tpu.dma_semaphore, #tpu.memory_space<semaphore_mem>>)
    %dma_start3A_102 = arith.constant 14 : i32
    %dma_start3A_103 = arith.constant 0 : i32
    %dma_start3A_104 = tpu.memref_slice %arg2[%add3A, %dma_start3A_102, %dma_start3A_103] : memref<32x20x320xi32, #tpu.memory_space<hbm>> -> memref<1x1x320xi32, #tpu.memory_space<hbm>>
    %dma_start3A_105 = tpu.memref_squeeze %dma_start3A_104 : memref<1x1x320xi32, #tpu.memory_space<hbm>> -> memref<320xi32, #tpu.memory_space<hbm>>
    %dma_start3A_106 = arith.constant 0 : i32
    %dma_start3A_107 = tpu.memref_slice %arg2[%add3A, %dma_start3A_102, %dma_start3A_106] : memref<32x20x320xi32, #tpu.memory_space<hbm>> -> memref<1x1x320xi32, #tpu.memory_space<hbm>>
    %dma_start3A_108 = tpu.memref_squeeze %dma_start3A_107 : memref<1x1x320xi32, #tpu.memory_space<hbm>> -> memref<320xi32, #tpu.memory_space<hbm>>
    tpu.enqueue_dma source(%dma_start3A_108 : memref<320xi32, #tpu.memory_space<hbm>>) target(%arg20 : memref<320xi32, #tpu.memory_space<vmem>>) target_semaphore(%arg28 : memref<!tpu.dma_semaphore, #tpu.memory_space<semaphore_mem>>)
    %dma_start3A_109 = arith.constant 15 : i32
    %dma_start3A_110 = arith.constant 0 : i32
    %dma_start3A_111 = tpu.memref_slice %arg2[%add3A, %dma_start3A_109, %dma_start3A_110] : memref<32x20x320xi32, #tpu.memory_space<hbm>> -> memref<1x1x320xi32, #tpu.memory_space<hbm>>
    %dma_start3A_112 = tpu.memref_squeeze %dma_start3A_111 : memref<1x1x320xi32, #tpu.memory_space<hbm>> -> memref<320xi32, #tpu.memory_space<hbm>>
    %dma_start3A_113 = arith.constant 0 : i32
    %dma_start3A_114 = tpu.memref_slice %arg2[%add3A, %dma_start3A_109, %dma_start3A_113] : memref<32x20x320xi32, #tpu.memory_space<hbm>> -> memref<1x1x320xi32, #tpu.memory_space<hbm>>
    %dma_start3A_115 = tpu.memref_squeeze %dma_start3A_114 : memref<1x1x320xi32, #tpu.memory_space<hbm>> -> memref<320xi32, #tpu.memory_space<hbm>>
    tpu.enqueue_dma source(%dma_start3A_115 : memref<320xi32, #tpu.memory_space<hbm>>) target(%arg21 : memref<320xi32, #tpu.memory_space<vmem>>) target_semaphore(%arg28 : memref<!tpu.dma_semaphore, #tpu.memory_space<semaphore_mem>>)
    %dma_start3A_116 = arith.constant 16 : i32
    %dma_start3A_117 = arith.constant 0 : i32
    %dma_start3A_118 = tpu.memref_slice %arg2[%add3A, %dma_start3A_116, %dma_start3A_117] : memref<32x20x320xi32, #tpu.memory_space<hbm>> -> memref<1x1x320xi32, #tpu.memory_space<hbm>>
    %dma_start3A_119 = tpu.memref_squeeze %dma_start3A_118 : memref<1x1x320xi32, #tpu.memory_space<hbm>> -> memref<320xi32, #tpu.memory_space<hbm>>
    %dma_start3A_120 = arith.constant 0 : i32
    %dma_start3A_121 = tpu.memref_slice %arg2[%add3A, %dma_start3A_116, %dma_start3A_120] : memref<32x20x320xi32, #tpu.memory_space<hbm>> -> memref<1x1x320xi32, #tpu.memory_space<hbm>>
    %dma_start3A_122 = tpu.memref_squeeze %dma_start3A_121 : memref<1x1x320xi32, #tpu.memory_space<hbm>> -> memref<320xi32, #tpu.memory_space<hbm>>
    tpu.enqueue_dma source(%dma_start3A_122 : memref<320xi32, #tpu.memory_space<hbm>>) target(%arg22 : memref<320xi32, #tpu.memory_space<vmem>>) target_semaphore(%arg28 : memref<!tpu.dma_semaphore, #tpu.memory_space<semaphore_mem>>)
    %dma_start3A_123 = arith.constant 17 : i32
    %dma_start3A_124 = arith.constant 0 : i32
    %dma_start3A_125 = tpu.memref_slice %arg2[%add3A, %dma_start3A_123, %dma_start3A_124] : memref<32x20x320xi32, #tpu.memory_space<hbm>> -> memref<1x1x320xi32, #tpu.memory_space<hbm>>
    %dma_start3A_126 = tpu.memref_squeeze %dma_start3A_125 : memref<1x1x320xi32, #tpu.memory_space<hbm>> -> memref<320xi32, #tpu.memory_space<hbm>>
    %dma_start3A_127 = arith.constant 0 : i32
    %dma_start3A_128 = tpu.memref_slice %arg2[%add3A, %dma_start3A_123, %dma_start3A_127] : memref<32x20x320xi32, #tpu.memory_space<hbm>> -> memref<1x1x320xi32, #tpu.memory_space<hbm>>
    %dma_start3A_129 = tpu.memref_squeeze %dma_start3A_128 : memref<1x1x320xi32, #tpu.memory_space<hbm>> -> memref<320xi32, #tpu.memory_space<hbm>>
    tpu.enqueue_dma source(%dma_start3A_129 : memref<320xi32, #tpu.memory_space<hbm>>) target(%arg23 : memref<320xi32, #tpu.memory_space<vmem>>) target_semaphore(%arg28 : memref<!tpu.dma_semaphore, #tpu.memory_space<semaphore_mem>>)
    %dma_start3A_130 = arith.constant 18 : i32
    %dma_start3A_131 = arith.constant 0 : i32
    %dma_start3A_132 = tpu.memref_slice %arg2[%add3A, %dma_start3A_130, %dma_start3A_131] : memref<32x20x320xi32, #tpu.memory_space<hbm>> -> memref<1x1x320xi32, #tpu.memory_space<hbm>>
    %dma_start3A_133 = tpu.memref_squeeze %dma_start3A_132 : memref<1x1x320xi32, #tpu.memory_space<hbm>> -> memref<320xi32, #tpu.memory_space<hbm>>
    %dma_start3A_134 = arith.constant 0 : i32
    %dma_start3A_135 = tpu.memref_slice %arg2[%add3A, %dma_start3A_130, %dma_start3A_134] : memref<32x20x320xi32, #tpu.memory_space<hbm>> -> memref<1x1x320xi32, #tpu.memory_space<hbm>>
    %dma_start3A_136 = tpu.memref_squeeze %dma_start3A_135 : memref<1x1x320xi32, #tpu.memory_space<hbm>> -> memref<320xi32, #tpu.memory_space<hbm>>
    tpu.enqueue_dma source(%dma_start3A_136 : memref<320xi32, #tpu.memory_space<hbm>>) target(%arg24 : memref<320xi32, #tpu.memory_space<vmem>>) target_semaphore(%arg28 : memref<!tpu.dma_semaphore, #tpu.memory_space<semaphore_mem>>)
    %dma_start3A_137 = arith.constant 19 : i32
    %dma_start3A_138 = arith.constant 0 : i32
    %dma_start3A_139 = tpu.memref_slice %arg2[%add3A, %dma_start3A_137, %dma_start3A_138] : memref<32x20x320xi32, #tpu.memory_space<hbm>> -> memref<1x1x320xi32, #tpu.memory_space<hbm>>
    %dma_start3A_140 = tpu.memref_squeeze %dma_start3A_139 : memref<1x1x320xi32, #tpu.memory_space<hbm>> -> memref<320xi32, #tpu.memory_space<hbm>>
    %dma_start3A_141 = arith.constant 0 : i32
    %dma_start3A_142 = tpu.memref_slice %arg2[%add3A, %dma_start3A_137, %dma_start3A_141] : memref<32x20x320xi32, #tpu.memory_space<hbm>> -> memref<1x1x320xi32, #tpu.memory_space<hbm>>
    %dma_start3A_143 = tpu.memref_squeeze %dma_start3A_142 : memref<1x1x320xi32, #tpu.memory_space<hbm>> -> memref<320xi32, #tpu.memory_space<hbm>>
    tpu.enqueue_dma source(%dma_start3A_143 : memref<320xi32, #tpu.memory_space<hbm>>) target(%arg25 : memref<320xi32, #tpu.memory_space<vmem>>) target_semaphore(%arg28 : memref<!tpu.dma_semaphore, #tpu.memory_space<semaphore_mem>>)
    %barrier3A = arith.constant 0 : index
    tpu.barrier barrier_id(%barrier3A)
    %dma_wait3A = arith.constant 0 : i32
    %dma_wait3A_144 = arith.constant 0 : i32
    %dma_wait3A_145 = tpu.memref_slice %arg2[%add3A, %dma_wait3A, %dma_wait3A_144] : memref<32x20x320xi32, #tpu.memory_space<hbm>> -> memref<1x1x320xi32, #tpu.memory_space<hbm>>
    %dma_wait3A_146 = tpu.memref_squeeze %dma_wait3A_145 : memref<1x1x320xi32, #tpu.memory_space<hbm>> -> memref<320xi32, #tpu.memory_space<hbm>>
    %dma_wait3A_147 = arith.constant 0 : i32
    %dma_wait3A_148 = tpu.memref_slice %arg2[%add3A, %dma_wait3A, %dma_wait3A_147] : memref<32x20x320xi32, #tpu.memory_space<hbm>> -> memref<1x1x320xi32, #tpu.memory_space<hbm>>
    %dma_wait3A_149 = tpu.memref_squeeze %dma_wait3A_148 : memref<1x1x320xi32, #tpu.memory_space<hbm>> -> memref<320xi32, #tpu.memory_space<hbm>>
    tpu.wait_dma2 semaphore(%arg28 : memref<!tpu.dma_semaphore, #tpu.memory_space<semaphore_mem>>) src(%dma_wait3A_149 : memref<320xi32, #tpu.memory_space<hbm>>) dst(%arg6 : memref<320xi32, #tpu.memory_space<vmem>>)
    %dma_start3A_150 = arith.constant 0 : i32
    %dma_start3A_151 = arith.constant 0 : i32
    %dma_start3A_152 = tpu.memref_slice %arg5[%dma_start3A_150, %dma_start3A_151] : memref<200x128xf32, #tpu.memory_space<vmem_shared>> -> memref<200x128xf32, #tpu.memory_space<vmem_shared>>
    tpu.enqueue_indirect_dma source(%dma_start3A_152 : memref<200x128xf32, #tpu.memory_space<vmem_shared>>) target(%arg26 : memref<320x128xf32, #tpu.memory_space<vmem>>) offsets(%arg6 : memref<320xi32, #tpu.memory_space<vmem>>) semaphore(%arg29 : memref<!tpu.dma_semaphore, #tpu.memory_space<semaphore_mem>>)
    %dma_wait3A_153 = arith.constant 1 : i32
    %dma_wait3A_154 = arith.constant 0 : i32
    %dma_wait3A_155 = tpu.memref_slice %arg2[%add3A, %dma_wait3A_153, %dma_wait3A_154] : memref<32x20x320xi32, #tpu.memory_space<hbm>> -> memref<1x1x320xi32, #tpu.memory_space<hbm>>
    %dma_wait3A_156 = tpu.memref_squeeze %dma_wait3A_155 : memref<1x1x320xi32, #tpu.memory_space<hbm>> -> memref<320xi32, #tpu.memory_space<hbm>>
    %dma_wait3A_157 = arith.constant 0 : i32
    %dma_wait3A_158 = tpu.memref_slice %arg2[%add3A, %dma_wait3A_153, %dma_wait3A_157] : memref<32x20x320xi32, #tpu.memory_space<hbm>> -> memref<1x1x320xi32, #tpu.memory_space<hbm>>
    %dma_wait3A_159 = tpu.memref_squeeze %dma_wait3A_158 : memref<1x1x320xi32, #tpu.memory_space<hbm>> -> memref<320xi32, #tpu.memory_space<hbm>>
    tpu.wait_dma2 semaphore(%arg28 : memref<!tpu.dma_semaphore, #tpu.memory_space<semaphore_mem>>) src(%dma_wait3A_159 : memref<320xi32, #tpu.memory_space<hbm>>) dst(%arg7 : memref<320xi32, #tpu.memory_space<vmem>>)
    %dma_start3A_160 = arith.constant 0 : i32
    %dma_start3A_161 = arith.constant 0 : i32
    %dma_start3A_162 = tpu.memref_slice %arg5[%dma_start3A_160, %dma_start3A_161] : memref<200x128xf32, #tpu.memory_space<vmem_shared>> -> memref<200x128xf32, #tpu.memory_space<vmem_shared>>
    tpu.enqueue_indirect_dma source(%dma_start3A_162 : memref<200x128xf32, #tpu.memory_space<vmem_shared>>) target(%arg27 : memref<320x128xf32, #tpu.memory_space<vmem>>) offsets(%arg7 : memref<320xi32, #tpu.memory_space<vmem>>) semaphore(%arg29 : memref<!tpu.dma_semaphore, #tpu.memory_space<semaphore_mem>>)
    %dma_wait3A_163 = arith.constant 0 : i32
    %dma_wait3A_164 = arith.constant 0 : i32
    %dma_wait3A_165 = tpu.memref_slice %arg5[%dma_wait3A_163, %dma_wait3A_164] : memref<200x128xf32, #tpu.memory_space<vmem_shared>> -> memref<200x128xf32, #tpu.memory_space<vmem_shared>>
    tpu.wait_indirect_dma semaphore(%arg29 : memref<!tpu.dma_semaphore, #tpu.memory_space<semaphore_mem>>) src(%dma_wait3A_165 : memref<200x128xf32, #tpu.memory_space<vmem_shared>>) dst(%arg26 : memref<320x128xf32, #tpu.memory_space<vmem>>)
    %add3A_166 = arith.constant 0 : i32
    %add3A_167 = arith.addi %mul3A_2, %add3A_166 : i32
    %dma_start3A_168 = arith.constant 0 : i32
    %dma_start3A_169 = tpu.memref_slice %arg4[%add3A_167, %dma_start3A_168] : memref<204800x128xf32, #tpu.memory_space<hbm>> -> memref<320x128xf32, #tpu.memory_space<hbm>>
    %dma_start3A_170 = arith.constant 0 : i32
    %dma_start3A_171 = tpu.memref_slice %arg4[%add3A_167, %dma_start3A_170] : memref<204800x128xf32, #tpu.memory_space<hbm>> -> memref<320x128xf32, #tpu.memory_space<hbm>>
    tpu.enqueue_dma source(%arg26 : memref<320x128xf32, #tpu.memory_space<vmem>>) target(%dma_start3A_171 : memref<320x128xf32, #tpu.memory_space<hbm>>) target_semaphore(%arg30 : memref<!tpu.dma_semaphore, #tpu.memory_space<semaphore_mem>>)
    %dma_wait3A_172 = arith.constant 0 : i32
    %dma_wait3A_173 = tpu.memref_slice %arg4[%add3A_167, %dma_wait3A_172] : memref<204800x128xf32, #tpu.memory_space<hbm>> -> memref<320x128xf32, #tpu.memory_space<hbm>>
    %dma_wait3A_174 = arith.constant 0 : i32
    %dma_wait3A_175 = tpu.memref_slice %arg4[%add3A_167, %dma_wait3A_174] : memref<204800x128xf32, #tpu.memory_space<hbm>> -> memref<320x128xf32, #tpu.memory_space<hbm>>
    tpu.wait_dma2 semaphore(%arg30 : memref<!tpu.dma_semaphore, #tpu.memory_space<semaphore_mem>>) src(%arg26 : memref<320x128xf32, #tpu.memory_space<vmem>>) dst(%dma_wait3A_175 : memref<320x128xf32, #tpu.memory_space<hbm>>)
    %dma_wait3A_176 = arith.constant 2 : i32
    %dma_wait3A_177 = arith.constant 0 : i32
    %dma_wait3A_178 = tpu.memref_slice %arg2[%add3A, %dma_wait3A_176, %dma_wait3A_177] : memref<32x20x320xi32, #tpu.memory_space<hbm>> -> memref<1x1x320xi32, #tpu.memory_space<hbm>>
    %dma_wait3A_179 = tpu.memref_squeeze %dma_wait3A_178 : memref<1x1x320xi32, #tpu.memory_space<hbm>> -> memref<320xi32, #tpu.memory_space<hbm>>
    %dma_wait3A_180 = arith.constant 0 : i32
    %dma_wait3A_181 = tpu.memref_slice %arg2[%add3A, %dma_wait3A_176, %dma_wait3A_180] : memref<32x20x320xi32, #tpu.memory_space<hbm>> -> memref<1x1x320xi32, #tpu.memory_space<hbm>>
    %dma_wait3A_182 = tpu.memref_squeeze %dma_wait3A_181 : memref<1x1x320xi32, #tpu.memory_space<hbm>> -> memref<320xi32, #tpu.memory_space<hbm>>
    tpu.wait_dma2 semaphore(%arg28 : memref<!tpu.dma_semaphore, #tpu.memory_space<semaphore_mem>>) src(%dma_wait3A_182 : memref<320xi32, #tpu.memory_space<hbm>>) dst(%arg8 : memref<320xi32, #tpu.memory_space<vmem>>)
    %dma_start3A_183 = arith.constant 0 : i32
    %dma_start3A_184 = arith.constant 0 : i32
    %dma_start3A_185 = tpu.memref_slice %arg5[%dma_start3A_183, %dma_start3A_184] : memref<200x128xf32, #tpu.memory_space<vmem_shared>> -> memref<200x128xf32, #tpu.memory_space<vmem_shared>>
    tpu.enqueue_indirect_dma source(%dma_start3A_185 : memref<200x128xf32, #tpu.memory_space<vmem_shared>>) target(%arg26 : memref<320x128xf32, #tpu.memory_space<vmem>>) offsets(%arg8 : memref<320xi32, #tpu.memory_space<vmem>>) semaphore(%arg29 : memref<!tpu.dma_semaphore, #tpu.memory_space<semaphore_mem>>)
    %dma_wait3A_186 = arith.constant 0 : i32
    %dma_wait3A_187 = arith.constant 0 : i32
    %dma_wait3A_188 = tpu.memref_slice %arg5[%dma_wait3A_186, %dma_wait3A_187] : memref<200x128xf32, #tpu.memory_space<vmem_shared>> -> memref<200x128xf32, #tpu.memory_space<vmem_shared>>
    tpu.wait_indirect_dma semaphore(%arg29 : memref<!tpu.dma_semaphore, #tpu.memory_space<semaphore_mem>>) src(%dma_wait3A_188 : memref<200x128xf32, #tpu.memory_space<vmem_shared>>) dst(%arg27 : memref<320x128xf32, #tpu.memory_space<vmem>>)
    %add3A_189 = arith.constant 320 : i32
    %add3A_190 = arith.addi %mul3A_2, %add3A_189 : i32
    %dma_start3A_191 = arith.constant 0 : i32
    %dma_start3A_192 = tpu.memref_slice %arg4[%add3A_190, %dma_start3A_191] : memref<204800x128xf32, #tpu.memory_space<hbm>> -> memref<320x128xf32, #tpu.memory_space<hbm>>
    %dma_start3A_193 = arith.constant 0 : i32
    %dma_start3A_194 = tpu.memref_slice %arg4[%add3A_190, %dma_start3A_193] : memref<204800x128xf32, #tpu.memory_space<hbm>> -> memref<320x128xf32, #tpu.memory_space<hbm>>
    tpu.enqueue_dma source(%arg27 : memref<320x128xf32, #tpu.memory_space<vmem>>) target(%dma_start3A_194 : memref<320x128xf32, #tpu.memory_space<hbm>>) target_semaphore(%arg30 : memref<!tpu.dma_semaphore, #tpu.memory_space<semaphore_mem>>)
    %dma_wait3A_195 = arith.constant 0 : i32
    %dma_wait3A_196 = tpu.memref_slice %arg4[%add3A_190, %dma_wait3A_195] : memref<204800x128xf32, #tpu.memory_space<hbm>> -> memref<320x128xf32, #tpu.memory_space<hbm>>
    %dma_wait3A_197 = arith.constant 0 : i32
    %dma_wait3A_198 = tpu.memref_slice %arg4[%add3A_190, %dma_wait3A_197] : memref<204800x128xf32, #tpu.memory_space<hbm>> -> memref<320x128xf32, #tpu.memory_space<hbm>>
    tpu.wait_dma2 semaphore(%arg30 : memref<!tpu.dma_semaphore, #tpu.memory_space<semaphore_mem>>) src(%arg27 : memref<320x128xf32, #tpu.memory_space<vmem>>) dst(%dma_wait3A_198 : memref<320x128xf32, #tpu.memory_space<hbm>>)
    %dma_wait3A_199 = arith.constant 3 : i32
    %dma_wait3A_200 = arith.constant 0 : i32
    %dma_wait3A_201 = tpu.memref_slice %arg2[%add3A, %dma_wait3A_199, %dma_wait3A_200] : memref<32x20x320xi32, #tpu.memory_space<hbm>> -> memref<1x1x320xi32, #tpu.memory_space<hbm>>
    %dma_wait3A_202 = tpu.memref_squeeze %dma_wait3A_201 : memref<1x1x320xi32, #tpu.memory_space<hbm>> -> memref<320xi32, #tpu.memory_space<hbm>>
    %dma_wait3A_203 = arith.constant 0 : i32
    %dma_wait3A_204 = tpu.memref_slice %arg2[%add3A, %dma_wait3A_199, %dma_wait3A_203] : memref<32x20x320xi32, #tpu.memory_space<hbm>> -> memref<1x1x320xi32, #tpu.memory_space<hbm>>
    %dma_wait3A_205 = tpu.memref_squeeze %dma_wait3A_204 : memref<1x1x320xi32, #tpu.memory_space<hbm>> -> memref<320xi32, #tpu.memory_space<hbm>>
    tpu.wait_dma2 semaphore(%arg28 : memref<!tpu.dma_semaphore, #tpu.memory_space<semaphore_mem>>) src(%dma_wait3A_205 : memref<320xi32, #tpu.memory_space<hbm>>) dst(%arg9 : memref<320xi32, #tpu.memory_space<vmem>>)
    %dma_start3A_206 = arith.constant 0 : i32
    %dma_start3A_207 = arith.constant 0 : i32
    %dma_start3A_208 = tpu.memref_slice %arg5[%dma_start3A_206, %dma_start3A_207] : memref<200x128xf32, #tpu.memory_space<vmem_shared>> -> memref<200x128xf32, #tpu.memory_space<vmem_shared>>
    tpu.enqueue_indirect_dma source(%dma_start3A_208 : memref<200x128xf32, #tpu.memory_space<vmem_shared>>) target(%arg27 : memref<320x128xf32, #tpu.memory_space<vmem>>) offsets(%arg9 : memref<320xi32, #tpu.memory_space<vmem>>) semaphore(%arg29 : memref<!tpu.dma_semaphore, #tpu.memory_space<semaphore_mem>>)
    %dma_wait3A_209 = arith.constant 0 : i32
    %dma_wait3A_210 = arith.constant 0 : i32
    %dma_wait3A_211 = tpu.memref_slice %arg5[%dma_wait3A_209, %dma_wait3A_210] : memref<200x128xf32, #tpu.memory_space<vmem_shared>> -> memref<200x128xf32, #tpu.memory_space<vmem_shared>>
    tpu.wait_indirect_dma semaphore(%arg29 : memref<!tpu.dma_semaphore, #tpu.memory_space<semaphore_mem>>) src(%dma_wait3A_211 : memref<200x128xf32, #tpu.memory_space<vmem_shared>>) dst(%arg26 : memref<320x128xf32, #tpu.memory_space<vmem>>)
    %add3A_212 = arith.constant 640 : i32
    %add3A_213 = arith.addi %mul3A_2, %add3A_212 : i32
    %dma_start3A_214 = arith.constant 0 : i32
    %dma_start3A_215 = tpu.memref_slice %arg4[%add3A_213, %dma_start3A_214] : memref<204800x128xf32, #tpu.memory_space<hbm>> -> memref<320x128xf32, #tpu.memory_space<hbm>>
    %dma_start3A_216 = arith.constant 0 : i32
    %dma_start3A_217 = tpu.memref_slice %arg4[%add3A_213, %dma_start3A_216] : memref<204800x128xf32, #tpu.memory_space<hbm>> -> memref<320x128xf32, #tpu.memory_space<hbm>>
    tpu.enqueue_dma source(%arg26 : memref<320x128xf32, #tpu.memory_space<vmem>>) target(%dma_start3A_217 : memref<320x128xf32, #tpu.memory_space<hbm>>) target_semaphore(%arg30 : memref<!tpu.dma_semaphore, #tpu.memory_space<semaphore_mem>>)
    %dma_wait3A_218 = arith.constant 0 : i32
    %dma_wait3A_219 = tpu.memref_slice %arg4[%add3A_213, %dma_wait3A_218] : memref<204800x128xf32, #tpu.memory_space<hbm>> -> memref<320x128xf32, #tpu.memory_space<hbm>>
    %dma_wait3A_220 = arith.constant 0 : i32
    %dma_wait3A_221 = tpu.memref_slice %arg4[%add3A_213, %dma_wait3A_220] : memref<204800x128xf32, #tpu.memory_space<hbm>> -> memref<320x128xf32, #tpu.memory_space<hbm>>
    tpu.wait_dma2 semaphore(%arg30 : memref<!tpu.dma_semaphore, #tpu.memory_space<semaphore_mem>>) src(%arg26 : memref<320x128xf32, #tpu.memory_space<vmem>>) dst(%dma_wait3A_221 : memref<320x128xf32, #tpu.memory_space<hbm>>)
    %dma_wait3A_222 = arith.constant 4 : i32
    %dma_wait3A_223 = arith.constant 0 : i32
    %dma_wait3A_224 = tpu.memref_slice %arg2[%add3A, %dma_wait3A_222, %dma_wait3A_223] : memref<32x20x320xi32, #tpu.memory_space<hbm>> -> memref<1x1x320xi32, #tpu.memory_space<hbm>>
    %dma_wait3A_225 = tpu.memref_squeeze %dma_wait3A_224 : memref<1x1x320xi32, #tpu.memory_space<hbm>> -> memref<320xi32, #tpu.memory_space<hbm>>
    %dma_wait3A_226 = arith.constant 0 : i32
    %dma_wait3A_227 = tpu.memref_slice %arg2[%add3A, %dma_wait3A_222, %dma_wait3A_226] : memref<32x20x320xi32, #tpu.memory_space<hbm>> -> memref<1x1x320xi32, #tpu.memory_space<hbm>>
    %dma_wait3A_228 = tpu.memref_squeeze %dma_wait3A_227 : memref<1x1x320xi32, #tpu.memory_space<hbm>> -> memref<320xi32, #tpu.memory_space<hbm>>
    tpu.wait_dma2 semaphore(%arg28 : memref<!tpu.dma_semaphore, #tpu.memory_space<semaphore_mem>>) src(%dma_wait3A_228 : memref<320xi32, #tpu.memory_space<hbm>>) dst(%arg10 : memref<320xi32, #tpu.memory_space<vmem>>)
    %dma_start3A_229 = arith.constant 0 : i32
    %dma_start3A_230 = arith.constant 0 : i32
    %dma_start3A_231 = tpu.memref_slice %arg5[%dma_start3A_229, %dma_start3A_230] : memref<200x128xf32, #tpu.memory_space<vmem_shared>> -> memref<200x128xf32, #tpu.memory_space<vmem_shared>>
    tpu.enqueue_indirect_dma source(%dma_start3A_231 : memref<200x128xf32, #tpu.memory_space<vmem_shared>>) target(%arg26 : memref<320x128xf32, #tpu.memory_space<vmem>>) offsets(%arg10 : memref<320xi32, #tpu.memory_space<vmem>>) semaphore(%arg29 : memref<!tpu.dma_semaphore, #tpu.memory_space<semaphore_mem>>)
    %dma_wait3A_232 = arith.constant 0 : i32
    %dma_wait3A_233 = arith.constant 0 : i32
    %dma_wait3A_234 = tpu.memref_slice %arg5[%dma_wait3A_232, %dma_wait3A_233] : memref<200x128xf32, #tpu.memory_space<vmem_shared>> -> memref<200x128xf32, #tpu.memory_space<vmem_shared>>
    tpu.wait_indirect_dma semaphore(%arg29 : memref<!tpu.dma_semaphore, #tpu.memory_space<semaphore_mem>>) src(%dma_wait3A_234 : memref<200x128xf32, #tpu.memory_space<vmem_shared>>) dst(%arg27 : memref<320x128xf32, #tpu.memory_space<vmem>>)
    %add3A_235 = arith.constant 960 : i32
    %add3A_236 = arith.addi %mul3A_2, %add3A_235 : i32
    %dma_start3A_237 = arith.constant 0 : i32
    %dma_start3A_238 = tpu.memref_slice %arg4[%add3A_236, %dma_start3A_237] : memref<204800x128xf32, #tpu.memory_space<hbm>> -> memref<320x128xf32, #tpu.memory_space<hbm>>
    %dma_start3A_239 = arith.constant 0 : i32
    %dma_start3A_240 = tpu.memref_slice %arg4[%add3A_236, %dma_start3A_239] : memref<204800x128xf32, #tpu.memory_space<hbm>> -> memref<320x128xf32, #tpu.memory_space<hbm>>
    tpu.enqueue_dma source(%arg27 : memref<320x128xf32, #tpu.memory_space<vmem>>) target(%dma_start3A_240 : memref<320x128xf32, #tpu.memory_space<hbm>>) target_semaphore(%arg30 : memref<!tpu.dma_semaphore, #tpu.memory_space<semaphore_mem>>)
    %dma_wait3A_241 = arith.constant 0 : i32
    %dma_wait3A_242 = tpu.memref_slice %arg4[%add3A_236, %dma_wait3A_241] : memref<204800x128xf32, #tpu.memory_space<hbm>> -> memref<320x128xf32, #tpu.memory_space<hbm>>
    %dma_wait3A_243 = arith.constant 0 : i32
    %dma_wait3A_244 = tpu.memref_slice %arg4[%add3A_236, %dma_wait3A_243] : memref<204800x128xf32, #tpu.memory_space<hbm>> -> memref<320x128xf32, #tpu.memory_space<hbm>>
    tpu.wait_dma2 semaphore(%arg30 : memref<!tpu.dma_semaphore, #tpu.memory_space<semaphore_mem>>) src(%arg27 : memref<320x128xf32, #tpu.memory_space<vmem>>) dst(%dma_wait3A_244 : memref<320x128xf32, #tpu.memory_space<hbm>>)
    %dma_wait3A_245 = arith.constant 5 : i32
    %dma_wait3A_246 = arith.constant 0 : i32
    %dma_wait3A_247 = tpu.memref_slice %arg2[%add3A, %dma_wait3A_245, %dma_wait3A_246] : memref<32x20x320xi32, #tpu.memory_space<hbm>> -> memref<1x1x320xi32, #tpu.memory_space<hbm>>
    %dma_wait3A_248 = tpu.memref_squeeze %dma_wait3A_247 : memref<1x1x320xi32, #tpu.memory_space<hbm>> -> memref<320xi32, #tpu.memory_space<hbm>>
    %dma_wait3A_249 = arith.constant 0 : i32
    %dma_wait3A_250 = tpu.memref_slice %arg2[%add3A, %dma_wait3A_245, %dma_wait3A_249] : memref<32x20x320xi32, #tpu.memory_space<hbm>> -> memref<1x1x320xi32, #tpu.memory_space<hbm>>
    %dma_wait3A_251 = tpu.memref_squeeze %dma_wait3A_250 : memref<1x1x320xi32, #tpu.memory_space<hbm>> -> memref<320xi32, #tpu.memory_space<hbm>>
    tpu.wait_dma2 semaphore(%arg28 : memref<!tpu.dma_semaphore, #tpu.memory_space<semaphore_mem>>) src(%dma_wait3A_251 : memref<320xi32, #tpu.memory_space<hbm>>) dst(%arg11 : memref<320xi32, #tpu.memory_space<vmem>>)
    %dma_start3A_252 = arith.constant 0 : i32
    %dma_start3A_253 = arith.constant 0 : i32
    %dma_start3A_254 = tpu.memref_slice %arg5[%dma_start3A_252, %dma_start3A_253] : memref<200x128xf32, #tpu.memory_space<vmem_shared>> -> memref<200x128xf32, #tpu.memory_space<vmem_shared>>
    tpu.enqueue_indirect_dma source(%dma_start3A_254 : memref<200x128xf32, #tpu.memory_space<vmem_shared>>) target(%arg27 : memref<320x128xf32, #tpu.memory_space<vmem>>) offsets(%arg11 : memref<320xi32, #tpu.memory_space<vmem>>) semaphore(%arg29 : memref<!tpu.dma_semaphore, #tpu.memory_space<semaphore_mem>>)
    %dma_wait3A_255 = arith.constant 0 : i32
    %dma_wait3A_256 = arith.constant 0 : i32
    %dma_wait3A_257 = tpu.memref_slice %arg5[%dma_wait3A_255, %dma_wait3A_256] : memref<200x128xf32, #tpu.memory_space<vmem_shared>> -> memref<200x128xf32, #tpu.memory_space<vmem_shared>>
    tpu.wait_indirect_dma semaphore(%arg29 : memref<!tpu.dma_semaphore, #tpu.memory_space<semaphore_mem>>) src(%dma_wait3A_257 : memref<200x128xf32, #tpu.memory_space<vmem_shared>>) dst(%arg26 : memref<320x128xf32, #tpu.memory_space<vmem>>)
    %add3A_258 = arith.constant 1280 : i32
    %add3A_259 = arith.addi %mul3A_2, %add3A_258 : i32
    %dma_start3A_260 = arith.constant 0 : i32
    %dma_start3A_261 = tpu.memref_slice %arg4[%add3A_259, %dma_start3A_260] : memref<204800x128xf32, #tpu.memory_space<hbm>> -> memref<320x128xf32, #tpu.memory_space<hbm>>
    %dma_start3A_262 = arith.constant 0 : i32
    %dma_start3A_263 = tpu.memref_slice %arg4[%add3A_259, %dma_start3A_262] : memref<204800x128xf32, #tpu.memory_space<hbm>> -> memref<320x128xf32, #tpu.memory_space<hbm>>
    tpu.enqueue_dma source(%arg26 : memref<320x128xf32, #tpu.memory_space<vmem>>) target(%dma_start3A_263 : memref<320x128xf32, #tpu.memory_space<hbm>>) target_semaphore(%arg30 : memref<!tpu.dma_semaphore, #tpu.memory_space<semaphore_mem>>)
    %dma_wait3A_264 = arith.constant 0 : i32
    %dma_wait3A_265 = tpu.memref_slice %arg4[%add3A_259, %dma_wait3A_264] : memref<204800x128xf32, #tpu.memory_space<hbm>> -> memref<320x128xf32, #tpu.memory_space<hbm>>
    %dma_wait3A_266 = arith.constant 0 : i32
    %dma_wait3A_267 = tpu.memref_slice %arg4[%add3A_259, %dma_wait3A_266] : memref<204800x128xf32, #tpu.memory_space<hbm>> -> memref<320x128xf32, #tpu.memory_space<hbm>>
    tpu.wait_dma2 semaphore(%arg30 : memref<!tpu.dma_semaphore, #tpu.memory_space<semaphore_mem>>) src(%arg26 : memref<320x128xf32, #tpu.memory_space<vmem>>) dst(%dma_wait3A_267 : memref<320x128xf32, #tpu.memory_space<hbm>>)
    %dma_wait3A_268 = arith.constant 6 : i32
    %dma_wait3A_269 = arith.constant 0 : i32
    %dma_wait3A_270 = tpu.memref_slice %arg2[%add3A, %dma_wait3A_268, %dma_wait3A_269] : memref<32x20x320xi32, #tpu.memory_space<hbm>> -> memref<1x1x320xi32, #tpu.memory_space<hbm>>
    %dma_wait3A_271 = tpu.memref_squeeze %dma_wait3A_270 : memref<1x1x320xi32, #tpu.memory_space<hbm>> -> memref<320xi32, #tpu.memory_space<hbm>>
    %dma_wait3A_272 = arith.constant 0 : i32
    %dma_wait3A_273 = tpu.memref_slice %arg2[%add3A, %dma_wait3A_268, %dma_wait3A_272] : memref<32x20x320xi32, #tpu.memory_space<hbm>> -> memref<1x1x320xi32, #tpu.memory_space<hbm>>
    %dma_wait3A_274 = tpu.memref_squeeze %dma_wait3A_273 : memref<1x1x320xi32, #tpu.memory_space<hbm>> -> memref<320xi32, #tpu.memory_space<hbm>>
    tpu.wait_dma2 semaphore(%arg28 : memref<!tpu.dma_semaphore, #tpu.memory_space<semaphore_mem>>) src(%dma_wait3A_274 : memref<320xi32, #tpu.memory_space<hbm>>) dst(%arg12 : memref<320xi32, #tpu.memory_space<vmem>>)
    %dma_start3A_275 = arith.constant 0 : i32
    %dma_start3A_276 = arith.constant 0 : i32
    %dma_start3A_277 = tpu.memref_slice %arg5[%dma_start3A_275, %dma_start3A_276] : memref<200x128xf32, #tpu.memory_space<vmem_shared>> -> memref<200x128xf32, #tpu.memory_space<vmem_shared>>
    tpu.enqueue_indirect_dma source(%dma_start3A_277 : memref<200x128xf32, #tpu.memory_space<vmem_shared>>) target(%arg26 : memref<320x128xf32, #tpu.memory_space<vmem>>) offsets(%arg12 : memref<320xi32, #tpu.memory_space<vmem>>) semaphore(%arg29 : memref<!tpu.dma_semaphore, #tpu.memory_space<semaphore_mem>>)
    %dma_wait3A_278 = arith.constant 0 : i32
    %dma_wait3A_279 = arith.constant 0 : i32
    %dma_wait3A_280 = tpu.memref_slice %arg5[%dma_wait3A_278, %dma_wait3A_279] : memref<200x128xf32, #tpu.memory_space<vmem_shared>> -> memref<200x128xf32, #tpu.memory_space<vmem_shared>>
    tpu.wait_indirect_dma semaphore(%arg29 : memref<!tpu.dma_semaphore, #tpu.memory_space<semaphore_mem>>) src(%dma_wait3A_280 : memref<200x128xf32, #tpu.memory_space<vmem_shared>>) dst(%arg27 : memref<320x128xf32, #tpu.memory_space<vmem>>)
    %add3A_281 = arith.constant 1600 : i32
    %add3A_282 = arith.addi %mul3A_2, %add3A_281 : i32
    %dma_start3A_283 = arith.constant 0 : i32
    %dma_start3A_284 = tpu.memref_slice %arg4[%add3A_282, %dma_start3A_283] : memref<204800x128xf32, #tpu.memory_space<hbm>> -> memref<320x128xf32, #tpu.memory_space<hbm>>
    %dma_start3A_285 = arith.constant 0 : i32
    %dma_start3A_286 = tpu.memref_slice %arg4[%add3A_282, %dma_start3A_285] : memref<204800x128xf32, #tpu.memory_space<hbm>> -> memref<320x128xf32, #tpu.memory_space<hbm>>
    tpu.enqueue_dma source(%arg27 : memref<320x128xf32, #tpu.memory_space<vmem>>) target(%dma_start3A_286 : memref<320x128xf32, #tpu.memory_space<hbm>>) target_semaphore(%arg30 : memref<!tpu.dma_semaphore, #tpu.memory_space<semaphore_mem>>)
    %dma_wait3A_287 = arith.constant 0 : i32
    %dma_wait3A_288 = tpu.memref_slice %arg4[%add3A_282, %dma_wait3A_287] : memref<204800x128xf32, #tpu.memory_space<hbm>> -> memref<320x128xf32, #tpu.memory_space<hbm>>
    %dma_wait3A_289 = arith.constant 0 : i32
    %dma_wait3A_290 = tpu.memref_slice %arg4[%add3A_282, %dma_wait3A_289] : memref<204800x128xf32, #tpu.memory_space<hbm>> -> memref<320x128xf32, #tpu.memory_space<hbm>>
    tpu.wait_dma2 semaphore(%arg30 : memref<!tpu.dma_semaphore, #tpu.memory_space<semaphore_mem>>) src(%arg27 : memref<320x128xf32, #tpu.memory_space<vmem>>) dst(%dma_wait3A_290 : memref<320x128xf32, #tpu.memory_space<hbm>>)
    %dma_wait3A_291 = arith.constant 7 : i32
    %dma_wait3A_292 = arith.constant 0 : i32
    %dma_wait3A_293 = tpu.memref_slice %arg2[%add3A, %dma_wait3A_291, %dma_wait3A_292] : memref<32x20x320xi32, #tpu.memory_space<hbm>> -> memref<1x1x320xi32, #tpu.memory_space<hbm>>
    %dma_wait3A_294 = tpu.memref_squeeze %dma_wait3A_293 : memref<1x1x320xi32, #tpu.memory_space<hbm>> -> memref<320xi32, #tpu.memory_space<hbm>>
    %dma_wait3A_295 = arith.constant 0 : i32
    %dma_wait3A_296 = tpu.memref_slice %arg2[%add3A, %dma_wait3A_291, %dma_wait3A_295] : memref<32x20x320xi32, #tpu.memory_space<hbm>> -> memref<1x1x320xi32, #tpu.memory_space<hbm>>
    %dma_wait3A_297 = tpu.memref_squeeze %dma_wait3A_296 : memref<1x1x320xi32, #tpu.memory_space<hbm>> -> memref<320xi32, #tpu.memory_space<hbm>>
    tpu.wait_dma2 semaphore(%arg28 : memref<!tpu.dma_semaphore, #tpu.memory_space<semaphore_mem>>) src(%dma_wait3A_297 : memref<320xi32, #tpu.memory_space<hbm>>) dst(%arg13 : memref<320xi32, #tpu.memory_space<vmem>>)
    %dma_start3A_298 = arith.constant 0 : i32
    %dma_start3A_299 = arith.constant 0 : i32
    %dma_start3A_300 = tpu.memref_slice %arg5[%dma_start3A_298, %dma_start3A_299] : memref<200x128xf32, #tpu.memory_space<vmem_shared>> -> memref<200x128xf32, #tpu.memory_space<vmem_shared>>
    tpu.enqueue_indirect_dma source(%dma_start3A_300 : memref<200x128xf32, #tpu.memory_space<vmem_shared>>) target(%arg27 : memref<320x128xf32, #tpu.memory_space<vmem>>) offsets(%arg13 : memref<320xi32, #tpu.memory_space<vmem>>) semaphore(%arg29 : memref<!tpu.dma_semaphore, #tpu.memory_space<semaphore_mem>>)
    %dma_wait3A_301 = arith.constant 0 : i32
    %dma_wait3A_302 = arith.constant 0 : i32
    %dma_wait3A_303 = tpu.memref_slice %arg5[%dma_wait3A_301, %dma_wait3A_302] : memref<200x128xf32, #tpu.memory_space<vmem_shared>> -> memref<200x128xf32, #tpu.memory_space<vmem_shared>>
    tpu.wait_indirect_dma semaphore(%arg29 : memref<!tpu.dma_semaphore, #tpu.memory_space<semaphore_mem>>) src(%dma_wait3A_303 : memref<200x128xf32, #tpu.memory_space<vmem_shared>>) dst(%arg26 : memref<320x128xf32, #tpu.memory_space<vmem>>)
    %add3A_304 = arith.constant 1920 : i32
    %add3A_305 = arith.addi %mul3A_2, %add3A_304 : i32
    %dma_start3A_306 = arith.constant 0 : i32
    %dma_start3A_307 = tpu.memref_slice %arg4[%add3A_305, %dma_start3A_306] : memref<204800x128xf32, #tpu.memory_space<hbm>> -> memref<320x128xf32, #tpu.memory_space<hbm>>
    %dma_start3A_308 = arith.constant 0 : i32
    %dma_start3A_309 = tpu.memref_slice %arg4[%add3A_305, %dma_start3A_308] : memref<204800x128xf32, #tpu.memory_space<hbm>> -> memref<320x128xf32, #tpu.memory_space<hbm>>
    tpu.enqueue_dma source(%arg26 : memref<320x128xf32, #tpu.memory_space<vmem>>) target(%dma_start3A_309 : memref<320x128xf32, #tpu.memory_space<hbm>>) target_semaphore(%arg30 : memref<!tpu.dma_semaphore, #tpu.memory_space<semaphore_mem>>)
    %dma_wait3A_310 = arith.constant 0 : i32
    %dma_wait3A_311 = tpu.memref_slice %arg4[%add3A_305, %dma_wait3A_310] : memref<204800x128xf32, #tpu.memory_space<hbm>> -> memref<320x128xf32, #tpu.memory_space<hbm>>
    %dma_wait3A_312 = arith.constant 0 : i32
    %dma_wait3A_313 = tpu.memref_slice %arg4[%add3A_305, %dma_wait3A_312] : memref<204800x128xf32, #tpu.memory_space<hbm>> -> memref<320x128xf32, #tpu.memory_space<hbm>>
    tpu.wait_dma2 semaphore(%arg30 : memref<!tpu.dma_semaphore, #tpu.memory_space<semaphore_mem>>) src(%arg26 : memref<320x128xf32, #tpu.memory_space<vmem>>) dst(%dma_wait3A_313 : memref<320x128xf32, #tpu.memory_space<hbm>>)
    %dma_wait3A_314 = arith.constant 8 : i32
    %dma_wait3A_315 = arith.constant 0 : i32
    %dma_wait3A_316 = tpu.memref_slice %arg2[%add3A, %dma_wait3A_314, %dma_wait3A_315] : memref<32x20x320xi32, #tpu.memory_space<hbm>> -> memref<1x1x320xi32, #tpu.memory_space<hbm>>
    %dma_wait3A_317 = tpu.memref_squeeze %dma_wait3A_316 : memref<1x1x320xi32, #tpu.memory_space<hbm>> -> memref<320xi32, #tpu.memory_space<hbm>>
    %dma_wait3A_318 = arith.constant 0 : i32
    %dma_wait3A_319 = tpu.memref_slice %arg2[%add3A, %dma_wait3A_314, %dma_wait3A_318] : memref<32x20x320xi32, #tpu.memory_space<hbm>> -> memref<1x1x320xi32, #tpu.memory_space<hbm>>
    %dma_wait3A_320 = tpu.memref_squeeze %dma_wait3A_319 : memref<1x1x320xi32, #tpu.memory_space<hbm>> -> memref<320xi32, #tpu.memory_space<hbm>>
    tpu.wait_dma2 semaphore(%arg28 : memref<!tpu.dma_semaphore, #tpu.memory_space<semaphore_mem>>) src(%dma_wait3A_320 : memref<320xi32, #tpu.memory_space<hbm>>) dst(%arg14 : memref<320xi32, #tpu.memory_space<vmem>>)
    %dma_start3A_321 = arith.constant 0 : i32
    %dma_start3A_322 = arith.constant 0 : i32
    %dma_start3A_323 = tpu.memref_slice %arg5[%dma_start3A_321, %dma_start3A_322] : memref<200x128xf32, #tpu.memory_space<vmem_shared>> -> memref<200x128xf32, #tpu.memory_space<vmem_shared>>
    tpu.enqueue_indirect_dma source(%dma_start3A_323 : memref<200x128xf32, #tpu.memory_space<vmem_shared>>) target(%arg26 : memref<320x128xf32, #tpu.memory_space<vmem>>) offsets(%arg14 : memref<320xi32, #tpu.memory_space<vmem>>) semaphore(%arg29 : memref<!tpu.dma_semaphore, #tpu.memory_space<semaphore_mem>>)
    %dma_wait3A_324 = arith.constant 0 : i32
    %dma_wait3A_325 = arith.constant 0 : i32
    %dma_wait3A_326 = tpu.memref_slice %arg5[%dma_wait3A_324, %dma_wait3A_325] : memref<200x128xf32, #tpu.memory_space<vmem_shared>> -> memref<200x128xf32, #tpu.memory_space<vmem_shared>>
    tpu.wait_indirect_dma semaphore(%arg29 : memref<!tpu.dma_semaphore, #tpu.memory_space<semaphore_mem>>) src(%dma_wait3A_326 : memref<200x128xf32, #tpu.memory_space<vmem_shared>>) dst(%arg27 : memref<320x128xf32, #tpu.memory_space<vmem>>)
    %add3A_327 = arith.constant 2240 : i32
    %add3A_328 = arith.addi %mul3A_2, %add3A_327 : i32
    %dma_start3A_329 = arith.constant 0 : i32
    %dma_start3A_330 = tpu.memref_slice %arg4[%add3A_328, %dma_start3A_329] : memref<204800x128xf32, #tpu.memory_space<hbm>> -> memref<320x128xf32, #tpu.memory_space<hbm>>
    %dma_start3A_331 = arith.constant 0 : i32
    %dma_start3A_332 = tpu.memref_slice %arg4[%add3A_328, %dma_start3A_331] : memref<204800x128xf32, #tpu.memory_space<hbm>> -> memref<320x128xf32, #tpu.memory_space<hbm>>
    tpu.enqueue_dma source(%arg27 : memref<320x128xf32, #tpu.memory_space<vmem>>) target(%dma_start3A_332 : memref<320x128xf32, #tpu.memory_space<hbm>>) target_semaphore(%arg30 : memref<!tpu.dma_semaphore, #tpu.memory_space<semaphore_mem>>)
    %dma_wait3A_333 = arith.constant 0 : i32
    %dma_wait3A_334 = tpu.memref_slice %arg4[%add3A_328, %dma_wait3A_333] : memref<204800x128xf32, #tpu.memory_space<hbm>> -> memref<320x128xf32, #tpu.memory_space<hbm>>
    %dma_wait3A_335 = arith.constant 0 : i32
    %dma_wait3A_336 = tpu.memref_slice %arg4[%add3A_328, %dma_wait3A_335] : memref<204800x128xf32, #tpu.memory_space<hbm>> -> memref<320x128xf32, #tpu.memory_space<hbm>>
    tpu.wait_dma2 semaphore(%arg30 : memref<!tpu.dma_semaphore, #tpu.memory_space<semaphore_mem>>) src(%arg27 : memref<320x128xf32, #tpu.memory_space<vmem>>) dst(%dma_wait3A_336 : memref<320x128xf32, #tpu.memory_space<hbm>>)
    %dma_wait3A_337 = arith.constant 9 : i32
    %dma_wait3A_338 = arith.constant 0 : i32
    %dma_wait3A_339 = tpu.memref_slice %arg2[%add3A, %dma_wait3A_337, %dma_wait3A_338] : memref<32x20x320xi32, #tpu.memory_space<hbm>> -> memref<1x1x320xi32, #tpu.memory_space<hbm>>
    %dma_wait3A_340 = tpu.memref_squeeze %dma_wait3A_339 : memref<1x1x320xi32, #tpu.memory_space<hbm>> -> memref<320xi32, #tpu.memory_space<hbm>>
    %dma_wait3A_341 = arith.constant 0 : i32
    %dma_wait3A_342 = tpu.memref_slice %arg2[%add3A, %dma_wait3A_337, %dma_wait3A_341] : memref<32x20x320xi32, #tpu.memory_space<hbm>> -> memref<1x1x320xi32, #tpu.memory_space<hbm>>
    %dma_wait3A_343 = tpu.memref_squeeze %dma_wait3A_342 : memref<1x1x320xi32, #tpu.memory_space<hbm>> -> memref<320xi32, #tpu.memory_space<hbm>>
    tpu.wait_dma2 semaphore(%arg28 : memref<!tpu.dma_semaphore, #tpu.memory_space<semaphore_mem>>) src(%dma_wait3A_343 : memref<320xi32, #tpu.memory_space<hbm>>) dst(%arg15 : memref<320xi32, #tpu.memory_space<vmem>>)
    %dma_start3A_344 = arith.constant 0 : i32
    %dma_start3A_345 = arith.constant 0 : i32
    %dma_start3A_346 = tpu.memref_slice %arg5[%dma_start3A_344, %dma_start3A_345] : memref<200x128xf32, #tpu.memory_space<vmem_shared>> -> memref<200x128xf32, #tpu.memory_space<vmem_shared>>
    tpu.enqueue_indirect_dma source(%dma_start3A_346 : memref<200x128xf32, #tpu.memory_space<vmem_shared>>) target(%arg27 : memref<320x128xf32, #tpu.memory_space<vmem>>) offsets(%arg15 : memref<320xi32, #tpu.memory_space<vmem>>) semaphore(%arg29 : memref<!tpu.dma_semaphore, #tpu.memory_space<semaphore_mem>>)
    %dma_wait3A_347 = arith.constant 0 : i32
    %dma_wait3A_348 = arith.constant 0 : i32
    %dma_wait3A_349 = tpu.memref_slice %arg5[%dma_wait3A_347, %dma_wait3A_348] : memref<200x128xf32, #tpu.memory_space<vmem_shared>> -> memref<200x128xf32, #tpu.memory_space<vmem_shared>>
    tpu.wait_indirect_dma semaphore(%arg29 : memref<!tpu.dma_semaphore, #tpu.memory_space<semaphore_mem>>) src(%dma_wait3A_349 : memref<200x128xf32, #tpu.memory_space<vmem_shared>>) dst(%arg26 : memref<320x128xf32, #tpu.memory_space<vmem>>)
    %add3A_350 = arith.constant 2560 : i32
    %add3A_351 = arith.addi %mul3A_2, %add3A_350 : i32
    %dma_start3A_352 = arith.constant 0 : i32
    %dma_start3A_353 = tpu.memref_slice %arg4[%add3A_351, %dma_start3A_352] : memref<204800x128xf32, #tpu.memory_space<hbm>> -> memref<320x128xf32, #tpu.memory_space<hbm>>
    %dma_start3A_354 = arith.constant 0 : i32
    %dma_start3A_355 = tpu.memref_slice %arg4[%add3A_351, %dma_start3A_354] : memref<204800x128xf32, #tpu.memory_space<hbm>> -> memref<320x128xf32, #tpu.memory_space<hbm>>
    tpu.enqueue_dma source(%arg26 : memref<320x128xf32, #tpu.memory_space<vmem>>) target(%dma_start3A_355 : memref<320x128xf32, #tpu.memory_space<hbm>>) target_semaphore(%arg30 : memref<!tpu.dma_semaphore, #tpu.memory_space<semaphore_mem>>)
    %dma_wait3A_356 = arith.constant 0 : i32
    %dma_wait3A_357 = tpu.memref_slice %arg4[%add3A_351, %dma_wait3A_356] : memref<204800x128xf32, #tpu.memory_space<hbm>> -> memref<320x128xf32, #tpu.memory_space<hbm>>
    %dma_wait3A_358 = arith.constant 0 : i32
    %dma_wait3A_359 = tpu.memref_slice %arg4[%add3A_351, %dma_wait3A_358] : memref<204800x128xf32, #tpu.memory_space<hbm>> -> memref<320x128xf32, #tpu.memory_space<hbm>>
    tpu.wait_dma2 semaphore(%arg30 : memref<!tpu.dma_semaphore, #tpu.memory_space<semaphore_mem>>) src(%arg26 : memref<320x128xf32, #tpu.memory_space<vmem>>) dst(%dma_wait3A_359 : memref<320x128xf32, #tpu.memory_space<hbm>>)
    %dma_wait3A_360 = arith.constant 10 : i32
    %dma_wait3A_361 = arith.constant 0 : i32
    %dma_wait3A_362 = tpu.memref_slice %arg2[%add3A, %dma_wait3A_360, %dma_wait3A_361] : memref<32x20x320xi32, #tpu.memory_space<hbm>> -> memref<1x1x320xi32, #tpu.memory_space<hbm>>
    %dma_wait3A_363 = tpu.memref_squeeze %dma_wait3A_362 : memref<1x1x320xi32, #tpu.memory_space<hbm>> -> memref<320xi32, #tpu.memory_space<hbm>>
    %dma_wait3A_364 = arith.constant 0 : i32
    %dma_wait3A_365 = tpu.memref_slice %arg2[%add3A, %dma_wait3A_360, %dma_wait3A_364] : memref<32x20x320xi32, #tpu.memory_space<hbm>> -> memref<1x1x320xi32, #tpu.memory_space<hbm>>
    %dma_wait3A_366 = tpu.memref_squeeze %dma_wait3A_365 : memref<1x1x320xi32, #tpu.memory_space<hbm>> -> memref<320xi32, #tpu.memory_space<hbm>>
    tpu.wait_dma2 semaphore(%arg28 : memref<!tpu.dma_semaphore, #tpu.memory_space<semaphore_mem>>) src(%dma_wait3A_366 : memref<320xi32, #tpu.memory_space<hbm>>) dst(%arg16 : memref<320xi32, #tpu.memory_space<vmem>>)
    %dma_start3A_367 = arith.constant 0 : i32
    %dma_start3A_368 = arith.constant 0 : i32
    %dma_start3A_369 = tpu.memref_slice %arg5[%dma_start3A_367, %dma_start3A_368] : memref<200x128xf32, #tpu.memory_space<vmem_shared>> -> memref<200x128xf32, #tpu.memory_space<vmem_shared>>
    tpu.enqueue_indirect_dma source(%dma_start3A_369 : memref<200x128xf32, #tpu.memory_space<vmem_shared>>) target(%arg26 : memref<320x128xf32, #tpu.memory_space<vmem>>) offsets(%arg16 : memref<320xi32, #tpu.memory_space<vmem>>) semaphore(%arg29 : memref<!tpu.dma_semaphore, #tpu.memory_space<semaphore_mem>>)
    %dma_wait3A_370 = arith.constant 0 : i32
    %dma_wait3A_371 = arith.constant 0 : i32
    %dma_wait3A_372 = tpu.memref_slice %arg5[%dma_wait3A_370, %dma_wait3A_371] : memref<200x128xf32, #tpu.memory_space<vmem_shared>> -> memref<200x128xf32, #tpu.memory_space<vmem_shared>>
    tpu.wait_indirect_dma semaphore(%arg29 : memref<!tpu.dma_semaphore, #tpu.memory_space<semaphore_mem>>) src(%dma_wait3A_372 : memref<200x128xf32, #tpu.memory_space<vmem_shared>>) dst(%arg27 : memref<320x128xf32, #tpu.memory_space<vmem>>)
    %add3A_373 = arith.constant 2880 : i32
    %add3A_374 = arith.addi %mul3A_2, %add3A_373 : i32
    %dma_start3A_375 = arith.constant 0 : i32
    %dma_start3A_376 = tpu.memref_slice %arg4[%add3A_374, %dma_start3A_375] : memref<204800x128xf32, #tpu.memory_space<hbm>> -> memref<320x128xf32, #tpu.memory_space<hbm>>
    %dma_start3A_377 = arith.constant 0 : i32
    %dma_start3A_378 = tpu.memref_slice %arg4[%add3A_374, %dma_start3A_377] : memref<204800x128xf32, #tpu.memory_space<hbm>> -> memref<320x128xf32, #tpu.memory_space<hbm>>
    tpu.enqueue_dma source(%arg27 : memref<320x128xf32, #tpu.memory_space<vmem>>) target(%dma_start3A_378 : memref<320x128xf32, #tpu.memory_space<hbm>>) target_semaphore(%arg30 : memref<!tpu.dma_semaphore, #tpu.memory_space<semaphore_mem>>)
    %dma_wait3A_379 = arith.constant 0 : i32
    %dma_wait3A_380 = tpu.memref_slice %arg4[%add3A_374, %dma_wait3A_379] : memref<204800x128xf32, #tpu.memory_space<hbm>> -> memref<320x128xf32, #tpu.memory_space<hbm>>
    %dma_wait3A_381 = arith.constant 0 : i32
    %dma_wait3A_382 = tpu.memref_slice %arg4[%add3A_374, %dma_wait3A_381] : memref<204800x128xf32, #tpu.memory_space<hbm>> -> memref<320x128xf32, #tpu.memory_space<hbm>>
    tpu.wait_dma2 semaphore(%arg30 : memref<!tpu.dma_semaphore, #tpu.memory_space<semaphore_mem>>) src(%arg27 : memref<320x128xf32, #tpu.memory_space<vmem>>) dst(%dma_wait3A_382 : memref<320x128xf32, #tpu.memory_space<hbm>>)
    %dma_wait3A_383 = arith.constant 11 : i32
    %dma_wait3A_384 = arith.constant 0 : i32
    %dma_wait3A_385 = tpu.memref_slice %arg2[%add3A, %dma_wait3A_383, %dma_wait3A_384] : memref<32x20x320xi32, #tpu.memory_space<hbm>> -> memref<1x1x320xi32, #tpu.memory_space<hbm>>
    %dma_wait3A_386 = tpu.memref_squeeze %dma_wait3A_385 : memref<1x1x320xi32, #tpu.memory_space<hbm>> -> memref<320xi32, #tpu.memory_space<hbm>>
    %dma_wait3A_387 = arith.constant 0 : i32
    %dma_wait3A_388 = tpu.memref_slice %arg2[%add3A, %dma_wait3A_383, %dma_wait3A_387] : memref<32x20x320xi32, #tpu.memory_space<hbm>> -> memref<1x1x320xi32, #tpu.memory_space<hbm>>
    %dma_wait3A_389 = tpu.memref_squeeze %dma_wait3A_388 : memref<1x1x320xi32, #tpu.memory_space<hbm>> -> memref<320xi32, #tpu.memory_space<hbm>>
    tpu.wait_dma2 semaphore(%arg28 : memref<!tpu.dma_semaphore, #tpu.memory_space<semaphore_mem>>) src(%dma_wait3A_389 : memref<320xi32, #tpu.memory_space<hbm>>) dst(%arg17 : memref<320xi32, #tpu.memory_space<vmem>>)
    %dma_start3A_390 = arith.constant 0 : i32
    %dma_start3A_391 = arith.constant 0 : i32
    %dma_start3A_392 = tpu.memref_slice %arg5[%dma_start3A_390, %dma_start3A_391] : memref<200x128xf32, #tpu.memory_space<vmem_shared>> -> memref<200x128xf32, #tpu.memory_space<vmem_shared>>
    tpu.enqueue_indirect_dma source(%dma_start3A_392 : memref<200x128xf32, #tpu.memory_space<vmem_shared>>) target(%arg27 : memref<320x128xf32, #tpu.memory_space<vmem>>) offsets(%arg17 : memref<320xi32, #tpu.memory_space<vmem>>) semaphore(%arg29 : memref<!tpu.dma_semaphore, #tpu.memory_space<semaphore_mem>>)
    %dma_wait3A_393 = arith.constant 0 : i32
    %dma_wait3A_394 = arith.constant 0 : i32
    %dma_wait3A_395 = tpu.memref_slice %arg5[%dma_wait3A_393, %dma_wait3A_394] : memref<200x128xf32, #tpu.memory_space<vmem_shared>> -> memref<200x128xf32, #tpu.memory_space<vmem_shared>>
    tpu.wait_indirect_dma semaphore(%arg29 : memref<!tpu.dma_semaphore, #tpu.memory_space<semaphore_mem>>) src(%dma_wait3A_395 : memref<200x128xf32, #tpu.memory_space<vmem_shared>>) dst(%arg26 : memref<320x128xf32, #tpu.memory_space<vmem>>)
    %add3A_396 = arith.constant 3200 : i32
    %add3A_397 = arith.addi %mul3A_2, %add3A_396 : i32
    %dma_start3A_398 = arith.constant 0 : i32
    %dma_start3A_399 = tpu.memref_slice %arg4[%add3A_397, %dma_start3A_398] : memref<204800x128xf32, #tpu.memory_space<hbm>> -> memref<320x128xf32, #tpu.memory_space<hbm>>
    %dma_start3A_400 = arith.constant 0 : i32
    %dma_start3A_401 = tpu.memref_slice %arg4[%add3A_397, %dma_start3A_400] : memref<204800x128xf32, #tpu.memory_space<hbm>> -> memref<320x128xf32, #tpu.memory_space<hbm>>
    tpu.enqueue_dma source(%arg26 : memref<320x128xf32, #tpu.memory_space<vmem>>) target(%dma_start3A_401 : memref<320x128xf32, #tpu.memory_space<hbm>>) target_semaphore(%arg30 : memref<!tpu.dma_semaphore, #tpu.memory_space<semaphore_mem>>)
    %dma_wait3A_402 = arith.constant 0 : i32
    %dma_wait3A_403 = tpu.memref_slice %arg4[%add3A_397, %dma_wait3A_402] : memref<204800x128xf32, #tpu.memory_space<hbm>> -> memref<320x128xf32, #tpu.memory_space<hbm>>
    %dma_wait3A_404 = arith.constant 0 : i32
    %dma_wait3A_405 = tpu.memref_slice %arg4[%add3A_397, %dma_wait3A_404] : memref<204800x128xf32, #tpu.memory_space<hbm>> -> memref<320x128xf32, #tpu.memory_space<hbm>>
    tpu.wait_dma2 semaphore(%arg30 : memref<!tpu.dma_semaphore, #tpu.memory_space<semaphore_mem>>) src(%arg26 : memref<320x128xf32, #tpu.memory_space<vmem>>) dst(%dma_wait3A_405 : memref<320x128xf32, #tpu.memory_space<hbm>>)
    %dma_wait3A_406 = arith.constant 12 : i32
    %dma_wait3A_407 = arith.constant 0 : i32
    %dma_wait3A_408 = tpu.memref_slice %arg2[%add3A, %dma_wait3A_406, %dma_wait3A_407] : memref<32x20x320xi32, #tpu.memory_space<hbm>> -> memref<1x1x320xi32, #tpu.memory_space<hbm>>
    %dma_wait3A_409 = tpu.memref_squeeze %dma_wait3A_408 : memref<1x1x320xi32, #tpu.memory_space<hbm>> -> memref<320xi32, #tpu.memory_space<hbm>>
    %dma_wait3A_410 = arith.constant 0 : i32
    %dma_wait3A_411 = tpu.memref_slice %arg2[%add3A, %dma_wait3A_406, %dma_wait3A_410] : memref<32x20x320xi32, #tpu.memory_space<hbm>> -> memref<1x1x320xi32, #tpu.memory_space<hbm>>
    %dma_wait3A_412 = tpu.memref_squeeze %dma_wait3A_411 : memref<1x1x320xi32, #tpu.memory_space<hbm>> -> memref<320xi32, #tpu.memory_space<hbm>>
    tpu.wait_dma2 semaphore(%arg28 : memref<!tpu.dma_semaphore, #tpu.memory_space<semaphore_mem>>) src(%dma_wait3A_412 : memref<320xi32, #tpu.memory_space<hbm>>) dst(%arg18 : memref<320xi32, #tpu.memory_space<vmem>>)
    %dma_start3A_413 = arith.constant 0 : i32
    %dma_start3A_414 = arith.constant 0 : i32
    %dma_start3A_415 = tpu.memref_slice %arg5[%dma_start3A_413, %dma_start3A_414] : memref<200x128xf32, #tpu.memory_space<vmem_shared>> -> memref<200x128xf32, #tpu.memory_space<vmem_shared>>
    tpu.enqueue_indirect_dma source(%dma_start3A_415 : memref<200x128xf32, #tpu.memory_space<vmem_shared>>) target(%arg26 : memref<320x128xf32, #tpu.memory_space<vmem>>) offsets(%arg18 : memref<320xi32, #tpu.memory_space<vmem>>) semaphore(%arg29 : memref<!tpu.dma_semaphore, #tpu.memory_space<semaphore_mem>>)
    %dma_wait3A_416 = arith.constant 0 : i32
    %dma_wait3A_417 = arith.constant 0 : i32
    %dma_wait3A_418 = tpu.memref_slice %arg5[%dma_wait3A_416, %dma_wait3A_417] : memref<200x128xf32, #tpu.memory_space<vmem_shared>> -> memref<200x128xf32, #tpu.memory_space<vmem_shared>>
    tpu.wait_indirect_dma semaphore(%arg29 : memref<!tpu.dma_semaphore, #tpu.memory_space<semaphore_mem>>) src(%dma_wait3A_418 : memref<200x128xf32, #tpu.memory_space<vmem_shared>>) dst(%arg27 : memref<320x128xf32, #tpu.memory_space<vmem>>)
    %add3A_419 = arith.constant 3520 : i32
    %add3A_420 = arith.addi %mul3A_2, %add3A_419 : i32
    %dma_start3A_421 = arith.constant 0 : i32
    %dma_start3A_422 = tpu.memref_slice %arg4[%add3A_420, %dma_start3A_421] : memref<204800x128xf32, #tpu.memory_space<hbm>> -> memref<320x128xf32, #tpu.memory_space<hbm>>
    %dma_start3A_423 = arith.constant 0 : i32
    %dma_start3A_424 = tpu.memref_slice %arg4[%add3A_420, %dma_start3A_423] : memref<204800x128xf32, #tpu.memory_space<hbm>> -> memref<320x128xf32, #tpu.memory_space<hbm>>
    tpu.enqueue_dma source(%arg27 : memref<320x128xf32, #tpu.memory_space<vmem>>) target(%dma_start3A_424 : memref<320x128xf32, #tpu.memory_space<hbm>>) target_semaphore(%arg30 : memref<!tpu.dma_semaphore, #tpu.memory_space<semaphore_mem>>)
    %dma_wait3A_425 = arith.constant 0 : i32
    %dma_wait3A_426 = tpu.memref_slice %arg4[%add3A_420, %dma_wait3A_425] : memref<204800x128xf32, #tpu.memory_space<hbm>> -> memref<320x128xf32, #tpu.memory_space<hbm>>
    %dma_wait3A_427 = arith.constant 0 : i32
    %dma_wait3A_428 = tpu.memref_slice %arg4[%add3A_420, %dma_wait3A_427] : memref<204800x128xf32, #tpu.memory_space<hbm>> -> memref<320x128xf32, #tpu.memory_space<hbm>>
    tpu.wait_dma2 semaphore(%arg30 : memref<!tpu.dma_semaphore, #tpu.memory_space<semaphore_mem>>) src(%arg27 : memref<320x128xf32, #tpu.memory_space<vmem>>) dst(%dma_wait3A_428 : memref<320x128xf32, #tpu.memory_space<hbm>>)
    %dma_wait3A_429 = arith.constant 13 : i32
    %dma_wait3A_430 = arith.constant 0 : i32
    %dma_wait3A_431 = tpu.memref_slice %arg2[%add3A, %dma_wait3A_429, %dma_wait3A_430] : memref<32x20x320xi32, #tpu.memory_space<hbm>> -> memref<1x1x320xi32, #tpu.memory_space<hbm>>
    %dma_wait3A_432 = tpu.memref_squeeze %dma_wait3A_431 : memref<1x1x320xi32, #tpu.memory_space<hbm>> -> memref<320xi32, #tpu.memory_space<hbm>>
    %dma_wait3A_433 = arith.constant 0 : i32
    %dma_wait3A_434 = tpu.memref_slice %arg2[%add3A, %dma_wait3A_429, %dma_wait3A_433] : memref<32x20x320xi32, #tpu.memory_space<hbm>> -> memref<1x1x320xi32, #tpu.memory_space<hbm>>
    %dma_wait3A_435 = tpu.memref_squeeze %dma_wait3A_434 : memref<1x1x320xi32, #tpu.memory_space<hbm>> -> memref<320xi32, #tpu.memory_space<hbm>>
    tpu.wait_dma2 semaphore(%arg28 : memref<!tpu.dma_semaphore, #tpu.memory_space<semaphore_mem>>) src(%dma_wait3A_435 : memref<320xi32, #tpu.memory_space<hbm>>) dst(%arg19 : memref<320xi32, #tpu.memory_space<vmem>>)
    %dma_start3A_436 = arith.constant 0 : i32
    %dma_start3A_437 = arith.constant 0 : i32
    %dma_start3A_438 = tpu.memref_slice %arg5[%dma_start3A_436, %dma_start3A_437] : memref<200x128xf32, #tpu.memory_space<vmem_shared>> -> memref<200x128xf32, #tpu.memory_space<vmem_shared>>
    tpu.enqueue_indirect_dma source(%dma_start3A_438 : memref<200x128xf32, #tpu.memory_space<vmem_shared>>) target(%arg27 : memref<320x128xf32, #tpu.memory_space<vmem>>) offsets(%arg19 : memref<320xi32, #tpu.memory_space<vmem>>) semaphore(%arg29 : memref<!tpu.dma_semaphore, #tpu.memory_space<semaphore_mem>>)
    %dma_wait3A_439 = arith.constant 0 : i32
    %dma_wait3A_440 = arith.constant 0 : i32
    %dma_wait3A_441 = tpu.memref_slice %arg5[%dma_wait3A_439, %dma_wait3A_440] : memref<200x128xf32, #tpu.memory_space<vmem_shared>> -> memref<200x128xf32, #tpu.memory_space<vmem_shared>>
    tpu.wait_indirect_dma semaphore(%arg29 : memref<!tpu.dma_semaphore, #tpu.memory_space<semaphore_mem>>) src(%dma_wait3A_441 : memref<200x128xf32, #tpu.memory_space<vmem_shared>>) dst(%arg26 : memref<320x128xf32, #tpu.memory_space<vmem>>)
    %add3A_442 = arith.constant 3840 : i32
    %add3A_443 = arith.addi %mul3A_2, %add3A_442 : i32
    %dma_start3A_444 = arith.constant 0 : i32
    %dma_start3A_445 = tpu.memref_slice %arg4[%add3A_443, %dma_start3A_444] : memref<204800x128xf32, #tpu.memory_space<hbm>> -> memref<320x128xf32, #tpu.memory_space<hbm>>
    %dma_start3A_446 = arith.constant 0 : i32
    %dma_start3A_447 = tpu.memref_slice %arg4[%add3A_443, %dma_start3A_446] : memref<204800x128xf32, #tpu.memory_space<hbm>> -> memref<320x128xf32, #tpu.memory_space<hbm>>
    tpu.enqueue_dma source(%arg26 : memref<320x128xf32, #tpu.memory_space<vmem>>) target(%dma_start3A_447 : memref<320x128xf32, #tpu.memory_space<hbm>>) target_semaphore(%arg30 : memref<!tpu.dma_semaphore, #tpu.memory_space<semaphore_mem>>)
    %dma_wait3A_448 = arith.constant 0 : i32
    %dma_wait3A_449 = tpu.memref_slice %arg4[%add3A_443, %dma_wait3A_448] : memref<204800x128xf32, #tpu.memory_space<hbm>> -> memref<320x128xf32, #tpu.memory_space<hbm>>
    %dma_wait3A_450 = arith.constant 0 : i32
    %dma_wait3A_451 = tpu.memref_slice %arg4[%add3A_443, %dma_wait3A_450] : memref<204800x128xf32, #tpu.memory_space<hbm>> -> memref<320x128xf32, #tpu.memory_space<hbm>>
    tpu.wait_dma2 semaphore(%arg30 : memref<!tpu.dma_semaphore, #tpu.memory_space<semaphore_mem>>) src(%arg26 : memref<320x128xf32, #tpu.memory_space<vmem>>) dst(%dma_wait3A_451 : memref<320x128xf32, #tpu.memory_space<hbm>>)
    %dma_wait3A_452 = arith.constant 14 : i32
    %dma_wait3A_453 = arith.constant 0 : i32
    %dma_wait3A_454 = tpu.memref_slice %arg2[%add3A, %dma_wait3A_452, %dma_wait3A_453] : memref<32x20x320xi32, #tpu.memory_space<hbm>> -> memref<1x1x320xi32, #tpu.memory_space<hbm>>
    %dma_wait3A_455 = tpu.memref_squeeze %dma_wait3A_454 : memref<1x1x320xi32, #tpu.memory_space<hbm>> -> memref<320xi32, #tpu.memory_space<hbm>>
    %dma_wait3A_456 = arith.constant 0 : i32
    %dma_wait3A_457 = tpu.memref_slice %arg2[%add3A, %dma_wait3A_452, %dma_wait3A_456] : memref<32x20x320xi32, #tpu.memory_space<hbm>> -> memref<1x1x320xi32, #tpu.memory_space<hbm>>
    %dma_wait3A_458 = tpu.memref_squeeze %dma_wait3A_457 : memref<1x1x320xi32, #tpu.memory_space<hbm>> -> memref<320xi32, #tpu.memory_space<hbm>>
    tpu.wait_dma2 semaphore(%arg28 : memref<!tpu.dma_semaphore, #tpu.memory_space<semaphore_mem>>) src(%dma_wait3A_458 : memref<320xi32, #tpu.memory_space<hbm>>) dst(%arg20 : memref<320xi32, #tpu.memory_space<vmem>>)
    %dma_start3A_459 = arith.constant 0 : i32
    %dma_start3A_460 = arith.constant 0 : i32
    %dma_start3A_461 = tpu.memref_slice %arg5[%dma_start3A_459, %dma_start3A_460] : memref<200x128xf32, #tpu.memory_space<vmem_shared>> -> memref<200x128xf32, #tpu.memory_space<vmem_shared>>
    tpu.enqueue_indirect_dma source(%dma_start3A_461 : memref<200x128xf32, #tpu.memory_space<vmem_shared>>) target(%arg26 : memref<320x128xf32, #tpu.memory_space<vmem>>) offsets(%arg20 : memref<320xi32, #tpu.memory_space<vmem>>) semaphore(%arg29 : memref<!tpu.dma_semaphore, #tpu.memory_space<semaphore_mem>>)
    %dma_wait3A_462 = arith.constant 0 : i32
    %dma_wait3A_463 = arith.constant 0 : i32
    %dma_wait3A_464 = tpu.memref_slice %arg5[%dma_wait3A_462, %dma_wait3A_463] : memref<200x128xf32, #tpu.memory_space<vmem_shared>> -> memref<200x128xf32, #tpu.memory_space<vmem_shared>>
    tpu.wait_indirect_dma semaphore(%arg29 : memref<!tpu.dma_semaphore, #tpu.memory_space<semaphore_mem>>) src(%dma_wait3A_464 : memref<200x128xf32, #tpu.memory_space<vmem_shared>>) dst(%arg27 : memref<320x128xf32, #tpu.memory_space<vmem>>)
    %add3A_465 = arith.constant 4160 : i32
    %add3A_466 = arith.addi %mul3A_2, %add3A_465 : i32
    %dma_start3A_467 = arith.constant 0 : i32
    %dma_start3A_468 = tpu.memref_slice %arg4[%add3A_466, %dma_start3A_467] : memref<204800x128xf32, #tpu.memory_space<hbm>> -> memref<320x128xf32, #tpu.memory_space<hbm>>
    %dma_start3A_469 = arith.constant 0 : i32
    %dma_start3A_470 = tpu.memref_slice %arg4[%add3A_466, %dma_start3A_469] : memref<204800x128xf32, #tpu.memory_space<hbm>> -> memref<320x128xf32, #tpu.memory_space<hbm>>
    tpu.enqueue_dma source(%arg27 : memref<320x128xf32, #tpu.memory_space<vmem>>) target(%dma_start3A_470 : memref<320x128xf32, #tpu.memory_space<hbm>>) target_semaphore(%arg30 : memref<!tpu.dma_semaphore, #tpu.memory_space<semaphore_mem>>)
    %dma_wait3A_471 = arith.constant 0 : i32
    %dma_wait3A_472 = tpu.memref_slice %arg4[%add3A_466, %dma_wait3A_471] : memref<204800x128xf32, #tpu.memory_space<hbm>> -> memref<320x128xf32, #tpu.memory_space<hbm>>
    %dma_wait3A_473 = arith.constant 0 : i32
    %dma_wait3A_474 = tpu.memref_slice %arg4[%add3A_466, %dma_wait3A_473] : memref<204800x128xf32, #tpu.memory_space<hbm>> -> memref<320x128xf32, #tpu.memory_space<hbm>>
    tpu.wait_dma2 semaphore(%arg30 : memref<!tpu.dma_semaphore, #tpu.memory_space<semaphore_mem>>) src(%arg27 : memref<320x128xf32, #tpu.memory_space<vmem>>) dst(%dma_wait3A_474 : memref<320x128xf32, #tpu.memory_space<hbm>>)
    %dma_wait3A_475 = arith.constant 15 : i32
    %dma_wait3A_476 = arith.constant 0 : i32
    %dma_wait3A_477 = tpu.memref_slice %arg2[%add3A, %dma_wait3A_475, %dma_wait3A_476] : memref<32x20x320xi32, #tpu.memory_space<hbm>> -> memref<1x1x320xi32, #tpu.memory_space<hbm>>
    %dma_wait3A_478 = tpu.memref_squeeze %dma_wait3A_477 : memref<1x1x320xi32, #tpu.memory_space<hbm>> -> memref<320xi32, #tpu.memory_space<hbm>>
    %dma_wait3A_479 = arith.constant 0 : i32
    %dma_wait3A_480 = tpu.memref_slice %arg2[%add3A, %dma_wait3A_475, %dma_wait3A_479] : memref<32x20x320xi32, #tpu.memory_space<hbm>> -> memref<1x1x320xi32, #tpu.memory_space<hbm>>
    %dma_wait3A_481 = tpu.memref_squeeze %dma_wait3A_480 : memref<1x1x320xi32, #tpu.memory_space<hbm>> -> memref<320xi32, #tpu.memory_space<hbm>>
    tpu.wait_dma2 semaphore(%arg28 : memref<!tpu.dma_semaphore, #tpu.memory_space<semaphore_mem>>) src(%dma_wait3A_481 : memref<320xi32, #tpu.memory_space<hbm>>) dst(%arg21 : memref<320xi32, #tpu.memory_space<vmem>>)
    %dma_start3A_482 = arith.constant 0 : i32
    %dma_start3A_483 = arith.constant 0 : i32
    %dma_start3A_484 = tpu.memref_slice %arg5[%dma_start3A_482, %dma_start3A_483] : memref<200x128xf32, #tpu.memory_space<vmem_shared>> -> memref<200x128xf32, #tpu.memory_space<vmem_shared>>
    tpu.enqueue_indirect_dma source(%dma_start3A_484 : memref<200x128xf32, #tpu.memory_space<vmem_shared>>) target(%arg27 : memref<320x128xf32, #tpu.memory_space<vmem>>) offsets(%arg21 : memref<320xi32, #tpu.memory_space<vmem>>) semaphore(%arg29 : memref<!tpu.dma_semaphore, #tpu.memory_space<semaphore_mem>>)
    %dma_wait3A_485 = arith.constant 0 : i32
    %dma_wait3A_486 = arith.constant 0 : i32
    %dma_wait3A_487 = tpu.memref_slice %arg5[%dma_wait3A_485, %dma_wait3A_486] : memref<200x128xf32, #tpu.memory_space<vmem_shared>> -> memref<200x128xf32, #tpu.memory_space<vmem_shared>>
    tpu.wait_indirect_dma semaphore(%arg29 : memref<!tpu.dma_semaphore, #tpu.memory_space<semaphore_mem>>) src(%dma_wait3A_487 : memref<200x128xf32, #tpu.memory_space<vmem_shared>>) dst(%arg26 : memref<320x128xf32, #tpu.memory_space<vmem>>)
    %add3A_488 = arith.constant 4480 : i32
    %add3A_489 = arith.addi %mul3A_2, %add3A_488 : i32
    %dma_start3A_490 = arith.constant 0 : i32
    %dma_start3A_491 = tpu.memref_slice %arg4[%add3A_489, %dma_start3A_490] : memref<204800x128xf32, #tpu.memory_space<hbm>> -> memref<320x128xf32, #tpu.memory_space<hbm>>
    %dma_start3A_492 = arith.constant 0 : i32
    %dma_start3A_493 = tpu.memref_slice %arg4[%add3A_489, %dma_start3A_492] : memref<204800x128xf32, #tpu.memory_space<hbm>> -> memref<320x128xf32, #tpu.memory_space<hbm>>
    tpu.enqueue_dma source(%arg26 : memref<320x128xf32, #tpu.memory_space<vmem>>) target(%dma_start3A_493 : memref<320x128xf32, #tpu.memory_space<hbm>>) target_semaphore(%arg30 : memref<!tpu.dma_semaphore, #tpu.memory_space<semaphore_mem>>)
    %dma_wait3A_494 = arith.constant 0 : i32
    %dma_wait3A_495 = tpu.memref_slice %arg4[%add3A_489, %dma_wait3A_494] : memref<204800x128xf32, #tpu.memory_space<hbm>> -> memref<320x128xf32, #tpu.memory_space<hbm>>
    %dma_wait3A_496 = arith.constant 0 : i32
    %dma_wait3A_497 = tpu.memref_slice %arg4[%add3A_489, %dma_wait3A_496] : memref<204800x128xf32, #tpu.memory_space<hbm>> -> memref<320x128xf32, #tpu.memory_space<hbm>>
    tpu.wait_dma2 semaphore(%arg30 : memref<!tpu.dma_semaphore, #tpu.memory_space<semaphore_mem>>) src(%arg26 : memref<320x128xf32, #tpu.memory_space<vmem>>) dst(%dma_wait3A_497 : memref<320x128xf32, #tpu.memory_space<hbm>>)
    %dma_wait3A_498 = arith.constant 16 : i32
    %dma_wait3A_499 = arith.constant 0 : i32
    %dma_wait3A_500 = tpu.memref_slice %arg2[%add3A, %dma_wait3A_498, %dma_wait3A_499] : memref<32x20x320xi32, #tpu.memory_space<hbm>> -> memref<1x1x320xi32, #tpu.memory_space<hbm>>
    %dma_wait3A_501 = tpu.memref_squeeze %dma_wait3A_500 : memref<1x1x320xi32, #tpu.memory_space<hbm>> -> memref<320xi32, #tpu.memory_space<hbm>>
    %dma_wait3A_502 = arith.constant 0 : i32
    %dma_wait3A_503 = tpu.memref_slice %arg2[%add3A, %dma_wait3A_498, %dma_wait3A_502] : memref<32x20x320xi32, #tpu.memory_space<hbm>> -> memref<1x1x320xi32, #tpu.memory_space<hbm>>
    %dma_wait3A_504 = tpu.memref_squeeze %dma_wait3A_503 : memref<1x1x320xi32, #tpu.memory_space<hbm>> -> memref<320xi32, #tpu.memory_space<hbm>>
    tpu.wait_dma2 semaphore(%arg28 : memref<!tpu.dma_semaphore, #tpu.memory_space<semaphore_mem>>) src(%dma_wait3A_504 : memref<320xi32, #tpu.memory_space<hbm>>) dst(%arg22 : memref<320xi32, #tpu.memory_space<vmem>>)
    %dma_start3A_505 = arith.constant 0 : i32
    %dma_start3A_506 = arith.constant 0 : i32
    %dma_start3A_507 = tpu.memref_slice %arg5[%dma_start3A_505, %dma_start3A_506] : memref<200x128xf32, #tpu.memory_space<vmem_shared>> -> memref<200x128xf32, #tpu.memory_space<vmem_shared>>
    tpu.enqueue_indirect_dma source(%dma_start3A_507 : memref<200x128xf32, #tpu.memory_space<vmem_shared>>) target(%arg26 : memref<320x128xf32, #tpu.memory_space<vmem>>) offsets(%arg22 : memref<320xi32, #tpu.memory_space<vmem>>) semaphore(%arg29 : memref<!tpu.dma_semaphore, #tpu.memory_space<semaphore_mem>>)
    %dma_wait3A_508 = arith.constant 0 : i32
    %dma_wait3A_509 = arith.constant 0 : i32
    %dma_wait3A_510 = tpu.memref_slice %arg5[%dma_wait3A_508, %dma_wait3A_509] : memref<200x128xf32, #tpu.memory_space<vmem_shared>> -> memref<200x128xf32, #tpu.memory_space<vmem_shared>>
    tpu.wait_indirect_dma semaphore(%arg29 : memref<!tpu.dma_semaphore, #tpu.memory_space<semaphore_mem>>) src(%dma_wait3A_510 : memref<200x128xf32, #tpu.memory_space<vmem_shared>>) dst(%arg27 : memref<320x128xf32, #tpu.memory_space<vmem>>)
    %add3A_511 = arith.constant 4800 : i32
    %add3A_512 = arith.addi %mul3A_2, %add3A_511 : i32
    %dma_start3A_513 = arith.constant 0 : i32
    %dma_start3A_514 = tpu.memref_slice %arg4[%add3A_512, %dma_start3A_513] : memref<204800x128xf32, #tpu.memory_space<hbm>> -> memref<320x128xf32, #tpu.memory_space<hbm>>
    %dma_start3A_515 = arith.constant 0 : i32
    %dma_start3A_516 = tpu.memref_slice %arg4[%add3A_512, %dma_start3A_515] : memref<204800x128xf32, #tpu.memory_space<hbm>> -> memref<320x128xf32, #tpu.memory_space<hbm>>
    tpu.enqueue_dma source(%arg27 : memref<320x128xf32, #tpu.memory_space<vmem>>) target(%dma_start3A_516 : memref<320x128xf32, #tpu.memory_space<hbm>>) target_semaphore(%arg30 : memref<!tpu.dma_semaphore, #tpu.memory_space<semaphore_mem>>)
    %dma_wait3A_517 = arith.constant 0 : i32
    %dma_wait3A_518 = tpu.memref_slice %arg4[%add3A_512, %dma_wait3A_517] : memref<204800x128xf32, #tpu.memory_space<hbm>> -> memref<320x128xf32, #tpu.memory_space<hbm>>
    %dma_wait3A_519 = arith.constant 0 : i32
    %dma_wait3A_520 = tpu.memref_slice %arg4[%add3A_512, %dma_wait3A_519] : memref<204800x128xf32, #tpu.memory_space<hbm>> -> memref<320x128xf32, #tpu.memory_space<hbm>>
    tpu.wait_dma2 semaphore(%arg30 : memref<!tpu.dma_semaphore, #tpu.memory_space<semaphore_mem>>) src(%arg27 : memref<320x128xf32, #tpu.memory_space<vmem>>) dst(%dma_wait3A_520 : memref<320x128xf32, #tpu.memory_space<hbm>>)
    %dma_wait3A_521 = arith.constant 17 : i32
    %dma_wait3A_522 = arith.constant 0 : i32
    %dma_wait3A_523 = tpu.memref_slice %arg2[%add3A, %dma_wait3A_521, %dma_wait3A_522] : memref<32x20x320xi32, #tpu.memory_space<hbm>> -> memref<1x1x320xi32, #tpu.memory_space<hbm>>
    %dma_wait3A_524 = tpu.memref_squeeze %dma_wait3A_523 : memref<1x1x320xi32, #tpu.memory_space<hbm>> -> memref<320xi32, #tpu.memory_space<hbm>>
    %dma_wait3A_525 = arith.constant 0 : i32
    %dma_wait3A_526 = tpu.memref_slice %arg2[%add3A, %dma_wait3A_521, %dma_wait3A_525] : memref<32x20x320xi32, #tpu.memory_space<hbm>> -> memref<1x1x320xi32, #tpu.memory_space<hbm>>
    %dma_wait3A_527 = tpu.memref_squeeze %dma_wait3A_526 : memref<1x1x320xi32, #tpu.memory_space<hbm>> -> memref<320xi32, #tpu.memory_space<hbm>>
    tpu.wait_dma2 semaphore(%arg28 : memref<!tpu.dma_semaphore, #tpu.memory_space<semaphore_mem>>) src(%dma_wait3A_527 : memref<320xi32, #tpu.memory_space<hbm>>) dst(%arg23 : memref<320xi32, #tpu.memory_space<vmem>>)
    %dma_start3A_528 = arith.constant 0 : i32
    %dma_start3A_529 = arith.constant 0 : i32
    %dma_start3A_530 = tpu.memref_slice %arg5[%dma_start3A_528, %dma_start3A_529] : memref<200x128xf32, #tpu.memory_space<vmem_shared>> -> memref<200x128xf32, #tpu.memory_space<vmem_shared>>
    tpu.enqueue_indirect_dma source(%dma_start3A_530 : memref<200x128xf32, #tpu.memory_space<vmem_shared>>) target(%arg27 : memref<320x128xf32, #tpu.memory_space<vmem>>) offsets(%arg23 : memref<320xi32, #tpu.memory_space<vmem>>) semaphore(%arg29 : memref<!tpu.dma_semaphore, #tpu.memory_space<semaphore_mem>>)
    %dma_wait3A_531 = arith.constant 0 : i32
    %dma_wait3A_532 = arith.constant 0 : i32
    %dma_wait3A_533 = tpu.memref_slice %arg5[%dma_wait3A_531, %dma_wait3A_532] : memref<200x128xf32, #tpu.memory_space<vmem_shared>> -> memref<200x128xf32, #tpu.memory_space<vmem_shared>>
    tpu.wait_indirect_dma semaphore(%arg29 : memref<!tpu.dma_semaphore, #tpu.memory_space<semaphore_mem>>) src(%dma_wait3A_533 : memref<200x128xf32, #tpu.memory_space<vmem_shared>>) dst(%arg26 : memref<320x128xf32, #tpu.memory_space<vmem>>)
    %add3A_534 = arith.constant 5120 : i32
    %add3A_535 = arith.addi %mul3A_2, %add3A_534 : i32
    %dma_start3A_536 = arith.constant 0 : i32
    %dma_start3A_537 = tpu.memref_slice %arg4[%add3A_535, %dma_start3A_536] : memref<204800x128xf32, #tpu.memory_space<hbm>> -> memref<320x128xf32, #tpu.memory_space<hbm>>
    %dma_start3A_538 = arith.constant 0 : i32
    %dma_start3A_539 = tpu.memref_slice %arg4[%add3A_535, %dma_start3A_538] : memref<204800x128xf32, #tpu.memory_space<hbm>> -> memref<320x128xf32, #tpu.memory_space<hbm>>
    tpu.enqueue_dma source(%arg26 : memref<320x128xf32, #tpu.memory_space<vmem>>) target(%dma_start3A_539 : memref<320x128xf32, #tpu.memory_space<hbm>>) target_semaphore(%arg30 : memref<!tpu.dma_semaphore, #tpu.memory_space<semaphore_mem>>)
    %dma_wait3A_540 = arith.constant 0 : i32
    %dma_wait3A_541 = tpu.memref_slice %arg4[%add3A_535, %dma_wait3A_540] : memref<204800x128xf32, #tpu.memory_space<hbm>> -> memref<320x128xf32, #tpu.memory_space<hbm>>
    %dma_wait3A_542 = arith.constant 0 : i32
    %dma_wait3A_543 = tpu.memref_slice %arg4[%add3A_535, %dma_wait3A_542] : memref<204800x128xf32, #tpu.memory_space<hbm>> -> memref<320x128xf32, #tpu.memory_space<hbm>>
    tpu.wait_dma2 semaphore(%arg30 : memref<!tpu.dma_semaphore, #tpu.memory_space<semaphore_mem>>) src(%arg26 : memref<320x128xf32, #tpu.memory_space<vmem>>) dst(%dma_wait3A_543 : memref<320x128xf32, #tpu.memory_space<hbm>>)
    %dma_wait3A_544 = arith.constant 18 : i32
    %dma_wait3A_545 = arith.constant 0 : i32
    %dma_wait3A_546 = tpu.memref_slice %arg2[%add3A, %dma_wait3A_544, %dma_wait3A_545] : memref<32x20x320xi32, #tpu.memory_space<hbm>> -> memref<1x1x320xi32, #tpu.memory_space<hbm>>
    %dma_wait3A_547 = tpu.memref_squeeze %dma_wait3A_546 : memref<1x1x320xi32, #tpu.memory_space<hbm>> -> memref<320xi32, #tpu.memory_space<hbm>>
    %dma_wait3A_548 = arith.constant 0 : i32
    %dma_wait3A_549 = tpu.memref_slice %arg2[%add3A, %dma_wait3A_544, %dma_wait3A_548] : memref<32x20x320xi32, #tpu.memory_space<hbm>> -> memref<1x1x320xi32, #tpu.memory_space<hbm>>
    %dma_wait3A_550 = tpu.memref_squeeze %dma_wait3A_549 : memref<1x1x320xi32, #tpu.memory_space<hbm>> -> memref<320xi32, #tpu.memory_space<hbm>>
    tpu.wait_dma2 semaphore(%arg28 : memref<!tpu.dma_semaphore, #tpu.memory_space<semaphore_mem>>) src(%dma_wait3A_550 : memref<320xi32, #tpu.memory_space<hbm>>) dst(%arg24 : memref<320xi32, #tpu.memory_space<vmem>>)
    %dma_start3A_551 = arith.constant 0 : i32
    %dma_start3A_552 = arith.constant 0 : i32
    %dma_start3A_553 = tpu.memref_slice %arg5[%dma_start3A_551, %dma_start3A_552] : memref<200x128xf32, #tpu.memory_space<vmem_shared>> -> memref<200x128xf32, #tpu.memory_space<vmem_shared>>
    tpu.enqueue_indirect_dma source(%dma_start3A_553 : memref<200x128xf32, #tpu.memory_space<vmem_shared>>) target(%arg26 : memref<320x128xf32, #tpu.memory_space<vmem>>) offsets(%arg24 : memref<320xi32, #tpu.memory_space<vmem>>) semaphore(%arg29 : memref<!tpu.dma_semaphore, #tpu.memory_space<semaphore_mem>>)
    %dma_wait3A_554 = arith.constant 0 : i32
    %dma_wait3A_555 = arith.constant 0 : i32
    %dma_wait3A_556 = tpu.memref_slice %arg5[%dma_wait3A_554, %dma_wait3A_555] : memref<200x128xf32, #tpu.memory_space<vmem_shared>> -> memref<200x128xf32, #tpu.memory_space<vmem_shared>>
    tpu.wait_indirect_dma semaphore(%arg29 : memref<!tpu.dma_semaphore, #tpu.memory_space<semaphore_mem>>) src(%dma_wait3A_556 : memref<200x128xf32, #tpu.memory_space<vmem_shared>>) dst(%arg27 : memref<320x128xf32, #tpu.memory_space<vmem>>)
    %add3A_557 = arith.constant 5440 : i32
    %add3A_558 = arith.addi %mul3A_2, %add3A_557 : i32
    %dma_start3A_559 = arith.constant 0 : i32
    %dma_start3A_560 = tpu.memref_slice %arg4[%add3A_558, %dma_start3A_559] : memref<204800x128xf32, #tpu.memory_space<hbm>> -> memref<320x128xf32, #tpu.memory_space<hbm>>
    %dma_start3A_561 = arith.constant 0 : i32
    %dma_start3A_562 = tpu.memref_slice %arg4[%add3A_558, %dma_start3A_561] : memref<204800x128xf32, #tpu.memory_space<hbm>> -> memref<320x128xf32, #tpu.memory_space<hbm>>
    tpu.enqueue_dma source(%arg27 : memref<320x128xf32, #tpu.memory_space<vmem>>) target(%dma_start3A_562 : memref<320x128xf32, #tpu.memory_space<hbm>>) target_semaphore(%arg30 : memref<!tpu.dma_semaphore, #tpu.memory_space<semaphore_mem>>)
    %dma_wait3A_563 = arith.constant 0 : i32
    %dma_wait3A_564 = tpu.memref_slice %arg4[%add3A_558, %dma_wait3A_563] : memref<204800x128xf32, #tpu.memory_space<hbm>> -> memref<320x128xf32, #tpu.memory_space<hbm>>
    %dma_wait3A_565 = arith.constant 0 : i32
    %dma_wait3A_566 = tpu.memref_slice %arg4[%add3A_558, %dma_wait3A_565] : memref<204800x128xf32, #tpu.memory_space<hbm>> -> memref<320x128xf32, #tpu.memory_space<hbm>>
    tpu.wait_dma2 semaphore(%arg30 : memref<!tpu.dma_semaphore, #tpu.memory_space<semaphore_mem>>) src(%arg27 : memref<320x128xf32, #tpu.memory_space<vmem>>) dst(%dma_wait3A_566 : memref<320x128xf32, #tpu.memory_space<hbm>>)
    %dma_wait3A_567 = arith.constant 19 : i32
    %dma_wait3A_568 = arith.constant 0 : i32
    %dma_wait3A_569 = tpu.memref_slice %arg2[%add3A, %dma_wait3A_567, %dma_wait3A_568] : memref<32x20x320xi32, #tpu.memory_space<hbm>> -> memref<1x1x320xi32, #tpu.memory_space<hbm>>
    %dma_wait3A_570 = tpu.memref_squeeze %dma_wait3A_569 : memref<1x1x320xi32, #tpu.memory_space<hbm>> -> memref<320xi32, #tpu.memory_space<hbm>>
    %dma_wait3A_571 = arith.constant 0 : i32
    %dma_wait3A_572 = tpu.memref_slice %arg2[%add3A, %dma_wait3A_567, %dma_wait3A_571] : memref<32x20x320xi32, #tpu.memory_space<hbm>> -> memref<1x1x320xi32, #tpu.memory_space<hbm>>
    %dma_wait3A_573 = tpu.memref_squeeze %dma_wait3A_572 : memref<1x1x320xi32, #tpu.memory_space<hbm>> -> memref<320xi32, #tpu.memory_space<hbm>>
    tpu.wait_dma2 semaphore(%arg28 : memref<!tpu.dma_semaphore, #tpu.memory_space<semaphore_mem>>) src(%dma_wait3A_573 : memref<320xi32, #tpu.memory_space<hbm>>) dst(%arg25 : memref<320xi32, #tpu.memory_space<vmem>>)
    %dma_start3A_574 = arith.constant 0 : i32
    %dma_start3A_575 = arith.constant 0 : i32
    %dma_start3A_576 = tpu.memref_slice %arg5[%dma_start3A_574, %dma_start3A_575] : memref<200x128xf32, #tpu.memory_space<vmem_shared>> -> memref<200x128xf32, #tpu.memory_space<vmem_shared>>
    tpu.enqueue_indirect_dma source(%dma_start3A_576 : memref<200x128xf32, #tpu.memory_space<vmem_shared>>) target(%arg27 : memref<320x128xf32, #tpu.memory_space<vmem>>) offsets(%arg25 : memref<320xi32, #tpu.memory_space<vmem>>) semaphore(%arg29 : memref<!tpu.dma_semaphore, #tpu.memory_space<semaphore_mem>>)
    %dma_wait3A_577 = arith.constant 0 : i32
    %dma_wait3A_578 = arith.constant 0 : i32
    %dma_wait3A_579 = tpu.memref_slice %arg5[%dma_wait3A_577, %dma_wait3A_578] : memref<200x128xf32, #tpu.memory_space<vmem_shared>> -> memref<200x128xf32, #tpu.memory_space<vmem_shared>>
    tpu.wait_indirect_dma semaphore(%arg29 : memref<!tpu.dma_semaphore, #tpu.memory_space<semaphore_mem>>) src(%dma_wait3A_579 : memref<200x128xf32, #tpu.memory_space<vmem_shared>>) dst(%arg26 : memref<320x128xf32, #tpu.memory_space<vmem>>)
    %add3A_580 = arith.constant 5760 : i32
    %add3A_581 = arith.addi %mul3A_2, %add3A_580 : i32
    %dma_start3A_582 = arith.constant 0 : i32
    %dma_start3A_583 = tpu.memref_slice %arg4[%add3A_581, %dma_start3A_582] : memref<204800x128xf32, #tpu.memory_space<hbm>> -> memref<320x128xf32, #tpu.memory_space<hbm>>
    %dma_start3A_584 = arith.constant 0 : i32
    %dma_start3A_585 = tpu.memref_slice %arg4[%add3A_581, %dma_start3A_584] : memref<204800x128xf32, #tpu.memory_space<hbm>> -> memref<320x128xf32, #tpu.memory_space<hbm>>
    tpu.enqueue_dma source(%arg26 : memref<320x128xf32, #tpu.memory_space<vmem>>) target(%dma_start3A_585 : memref<320x128xf32, #tpu.memory_space<hbm>>) target_semaphore(%arg30 : memref<!tpu.dma_semaphore, #tpu.memory_space<semaphore_mem>>)
    %dma_wait3A_586 = arith.constant 0 : i32
    %dma_wait3A_587 = arith.constant 0 : i32
    %dma_wait3A_588 = tpu.memref_slice %arg5[%dma_wait3A_586, %dma_wait3A_587] : memref<200x128xf32, #tpu.memory_space<vmem_shared>> -> memref<200x128xf32, #tpu.memory_space<vmem_shared>>
    tpu.wait_indirect_dma semaphore(%arg29 : memref<!tpu.dma_semaphore, #tpu.memory_space<semaphore_mem>>) src(%dma_wait3A_588 : memref<200x128xf32, #tpu.memory_space<vmem_shared>>) dst(%arg27 : memref<320x128xf32, #tpu.memory_space<vmem>>)
    %add3A_589 = arith.constant 6080 : i32
    %add3A_590 = arith.addi %mul3A_2, %add3A_589 : i32
    %dma_start3A_591 = arith.constant 0 : i32
    %dma_start3A_592 = tpu.memref_slice %arg4[%add3A_590, %dma_start3A_591] : memref<204800x128xf32, #tpu.memory_space<hbm>> -> memref<320x128xf32, #tpu.memory_space<hbm>>
    %dma_start3A_593 = arith.constant 0 : i32
    %dma_start3A_594 = tpu.memref_slice %arg4[%add3A_590, %dma_start3A_593] : memref<204800x128xf32, #tpu.memory_space<hbm>> -> memref<320x128xf32, #tpu.memory_space<hbm>>
    tpu.enqueue_dma source(%arg27 : memref<320x128xf32, #tpu.memory_space<vmem>>) target(%dma_start3A_594 : memref<320x128xf32, #tpu.memory_space<hbm>>) target_semaphore(%arg30 : memref<!tpu.dma_semaphore, #tpu.memory_space<semaphore_mem>>)
    %dma_wait3A_595 = arith.constant 0 : i32
    %dma_wait3A_596 = tpu.memref_slice %arg4[%add3A_581, %dma_wait3A_595] : memref<204800x128xf32, #tpu.memory_space<hbm>> -> memref<320x128xf32, #tpu.memory_space<hbm>>
    %dma_wait3A_597 = arith.constant 0 : i32
    %dma_wait3A_598 = tpu.memref_slice %arg4[%add3A_581, %dma_wait3A_597] : memref<204800x128xf32, #tpu.memory_space<hbm>> -> memref<320x128xf32, #tpu.memory_space<hbm>>
    tpu.wait_dma2 semaphore(%arg30 : memref<!tpu.dma_semaphore, #tpu.memory_space<semaphore_mem>>) src(%arg26 : memref<320x128xf32, #tpu.memory_space<vmem>>) dst(%dma_wait3A_598 : memref<320x128xf32, #tpu.memory_space<hbm>>)
    %dma_wait3A_599 = arith.constant 0 : i32
    %dma_wait3A_600 = tpu.memref_slice %arg4[%add3A_590, %dma_wait3A_599] : memref<204800x128xf32, #tpu.memory_space<hbm>> -> memref<320x128xf32, #tpu.memory_space<hbm>>
    %dma_wait3A_601 = arith.constant 0 : i32
    %dma_wait3A_602 = tpu.memref_slice %arg4[%add3A_590, %dma_wait3A_601] : memref<204800x128xf32, #tpu.memory_space<hbm>> -> memref<320x128xf32, #tpu.memory_space<hbm>>
    tpu.wait_dma2 semaphore(%arg30 : memref<!tpu.dma_semaphore, #tpu.memory_space<semaphore_mem>>) src(%arg27 : memref<320x128xf32, #tpu.memory_space<vmem>>) dst(%dma_wait3A_602 : memref<320x128xf32, #tpu.memory_space<hbm>>)
    return
  }
}

</mosaic_0001>

<sc_bundles>
// kernel: kernel.3.cloned.1.call-start
scs
__scs_entry_jumppad:
0x0: {  	(pc) =	sbr.rel $0x88, $3  }
0x1: {  	(tag) =	ssettag $0x0;
	lr =	simm.s32 $0x1  }
0x2: {  	[smem:$0x3F9F] =	sst lr;
	_ =	strace $0xD0000000  }
0x3: {  	_ = 	snop  }
0x4: {  	_ = 	snop  }
0x5: {  	_ = 	snop  }
0x6: {  	_ = 	snop  }
0x7: {  	_ = 	snop  }
__scs_overlays_trampoline_lowered:
0x8: {  	[smem:$0x3FAE] =	sst s0  }
0x9: {  	[smem:$0x3FAF] =	sst s1  }
0xa: {  	[smem:$0x3FB0] =	sst s2  }
0xb: {  	[smem:$0x3FB1] =	sst s3  }
0xc: {  	[smem:$0x3FB2] =	sst s4  }
0xd: {  	[smem:$0x3FB3] =	sst s5  }
0xe: {  	[smem:$0x3FB4] =	sst s6  }
0xf: {  	[smem:$0x3FB5] =	sst s7  }
0x10: {  	[smem:$0x3FB6] =	sst s8  }
0x11: {  	[smem:$0x3FB7] =	sst s9;
	s0 =	simm.s32 @!p0 $0x0  }
0x12: {  	s1 =	sld [smem:$0x3F9D];
	s0 =	simm.s32 @p0 $0x1  }
0x13: {  	[smem:$0x3FB8] =	sst s0;
	s0 =	simm.s32 @!p1 $0x0  }
0x14: {  	s2 =	sld [smem:$0x3F9C];
	s0 =	simm.s32 @p1 $0x1  }
0x15: {  	[smem:$0x3FB9] =	sst s0;
	s0 =	simm.s32 @!p2 $0x0  }
0x16: {  	s3 =	sld [smem:$0x3FDB];
	s0 =	simm.s32 @p2 $0x1  }
0x17: {  	s4 =	simm.s32 $0x1BF5;
	[smem:$0x3FBB] =	sst s0  }
0x18: {  	s0 =	sld [smem:$0x3F9E];
	_ =	swait.ge [sflag:s4], $0x0  }
0x19: {  	s7 =	sld [smem:$0x3F9F]  }
0x1a: {  	s8 =	sadd.s32 $0xFFFFE003, lr  }
0x1b: {  	s9 =	sadd.s32 $0xFFFFFEF7, lr;
	s5 =	simm.s32 $0xFFFFFFFF;
	p2 =	slt.u32 s8, $0xFFFFF086  }
0x1c: {  	p1 =	slt.u32 s9, $0xF7A;
	s5 =	simm.s32 @!p2 $0x0  }
0x1d: {  	s5 =	simm.s32 @p1 $0x1;
	p0 =	seq.s32 s7, s2  }
0x1e: {  	s7 =	smul.u32 @!p0 $0xF7A, s2;
	p2 =	seq.s32 @!p0 s5, $0x0  }
0x1f: {  	s9 =	smul.u32 $0xF7A, s1;
	s8 =	simm.s32 @!p0 $0x1BF5;
	p2 =	por !p2, p0  }
0x20: {  	[sflag:s8] =	ssyncset.s32 @!p0 $0xFFFFF086;
	s6 =	sadd.s32 @!p0 s3, s7;
	s7 =	simm.s32 @!p0 $0x108  }
0x21: {  	s3 =	sadd.s32 s3, s9;
	s6 =	sadd.s32 @!p0 $0x88, s6;
	s7 =	simm.s32 @p2 $0x1082  }
0x22: {  	[simem:s7], [sflag:s8] =	dma.local @!p0 [hbm:s6], $0xF7A  }
0x23: {  	s9 =	sor.u32 $0xD0000000, s2;
	s6 =	simm.s32 $0x108;
	_ =	swait.ge @!p0 [sflag:s8], $0x0  }
0x24: {  	s3 =	sadd.s32 $0x88, s3;
	s6 =	simm.s32 @!p1 $0x1082;
	[sflag:s4] =	ssyncset.s32 $0xFFFFF086  }
0x25: {  	[simem:s6], [sflag:s4] =	dma.local [hbm:s3], $0xF7A  }
0x26: {  	[smem:$0x3F9F] =	sst s1;
	(tag) =	ssettag s2;
	_ =	strace s9  }
0x27: {  	s1 =	sld [smem:$0x3FAF]  }
0x28: {  	s2 =	sld [smem:$0x3FB0]  }
0x29: {  	s4 =	sld [smem:$0x3FB2]  }
0x2a: {  	p0 =	seq.s32 s5, $0x0;
	s5 =	sld [smem:$0x3FB3]  }
0x2b: {  	s6 =	sld [smem:$0x3FB4]  }
0x2c: {  	s7 =	sld [smem:$0x3FB5]  }
0x2d: {  	s3 =	simm.s32 $0x108;
	s8 =	sld [smem:$0x3FB6]  }
0x2e: {  	s3 =	simm.s32 @!p0 $0x1082;
	s9 =	sld [smem:$0x3FB7]  }
0x2f: {  	lr =	sadd.s32 s0, s3;
	s0 =	sld [smem:$0x3FAE]  }
0x30: {  	s3 =	sld [smem:$0x3FB1]  }
0x31: {  	[smem:$0x3FBA] =	sst s10  }
0x32: {  	s10 =	sld [smem:$0x3FB8];
	_ =	sdelay $0x3  }
0x33: {  	p0 =	seq.s32 s10, $0x1;
	s10 =	sld [smem:$0x3FBA];
	_ =	sdelay $0x3  }
0x34: {  	[smem:$0x3FBA] =	sst s10  }
0x35: {  	s10 =	sld [smem:$0x3FB9];
	_ =	sdelay $0x3  }
0x36: {  	p1 =	seq.s32 s10, $0x1;
	s10 =	sld [smem:$0x3FBA];
	_ =	sdelay $0x3  }
0x37: {  	[smem:$0x3FBA] =	sst s10  }
0x38: {  	s10 =	sld [smem:$0x3FBB]  }
0x39: {  	_ = 	snop;
	(pc) =	sbr.ind lr, $3  }
0x3a: {  	_ = 	snop  }
0x3b: {  	_ = 	snop  }
0x3c: {  	p2 =	seq.s32 s10, $0x1;
	s10 =	sld [smem:$0x3FBA]  }
0x3d: {  	_ =	shalt  }
0x3e: {  	_ =	shalt  }
0x3f: {  	_ =	shalt  }
0x40: {  	_ =	shalt  }
0x41: {  	_ =	shalt  }
0x42: {  	_ =	shalt  }
0x43: {  	_ =	shalt  }
0x44: {  	_ =	shalt  }
0x45: {  	_ =	shalt  }
0x46: {  	_ =	shalt  }
0x47: {  	_ =	shalt  }
0x48: {  	_ =	shalt  }
0x49: {  	_ =	shalt  }
0x4a: {  	_ =	shalt  }
0x4b: {  	_ =	shalt  }
0x4c: {  	_ =	shalt  }
0x4d: {  	_ =	shalt  }
0x4e: {  	_ =	shalt  }
0x4f: {  	_ =	shalt  }
0x50: {  	_ =	shalt  }
0x51: {  	_ =	shalt  }
0x52: {  	_ =	shalt  }
0x53: {  	_ =	shalt  }
0x54: {  	_ =	shalt  }
0x55: {  	_ =	shalt  }
0x56: {  	_ =	shalt  }
0x57: {  	_ =	shalt  }
0x58: {  	_ =	shalt  }
0x59: {  	_ =	shalt  }
0x5a: {  	_ =	shalt  }
0x5b: {  	_ =	shalt  }
0x5c: {  	_ =	shalt  }
0x5d: {  	_ =	shalt  }
0x5e: {  	_ =	shalt  }
0x5f: {  	_ =	shalt  }
0x60: {  	_ =	shalt  }
0x61: {  	_ =	shalt  }
0x62: {  	_ =	shalt  }
0x63: {  	_ =	shalt  }
0x64: {  	_ =	shalt  }
0x65: {  	_ =	shalt  }
0x66: {  	_ =	shalt  }
0x67: {  	_ =	shalt  }
0x68: {  	_ =	shalt  }
0x69: {  	_ =	shalt  }
0x6a: {  	_ =	shalt  }
0x6b: {  	_ =	shalt  }
0x6c: {  	_ =	shalt  }
0x6d: {  	_ =	shalt  }
0x6e: {  	_ =	shalt  }
0x6f: {  	_ =	shalt  }
0x70: {  	_ =	shalt  }
0x71: {  	_ =	shalt  }
0x72: {  	_ =	shalt  }
0x73: {  	_ =	shalt  }
0x74: {  	_ =	shalt  }
0x75: {  	_ =	shalt  }
0x76: {  	_ =	shalt  }
0x77: {  	_ =	shalt  }
0x78: {  	_ =	shalt  }
0x79: {  	_ =	shalt  }
0x7a: {  	_ =	shalt  }
0x7b: {  	_ =	shalt  }
0x7c: {  	_ =	shalt  }
0x7d: {  	_ =	shalt  }
0x7e: {  	_ =	shalt  }
0x7f: {  	_ =	shalt  }
0x80: {  	_ =	shalt  }
0x81: {  	_ =	shalt  }
0x82: {  	_ =	shalt  }
0x83: {  	_ =	shalt  }
0x84: {  	_ =	shalt  }
0x85: {  	_ =	shalt  }
0x86: {  	_ =	shalt  }
0x87: {  	_ =	shalt  }
.Lfunc_end0:
.L_simem_size_0:
called_computation_lowered:
.L_overlay_start_0:
0x88: {  	s2 =	sld [smem:$0x3FD9]  }
0x89: {  	s3 =	sld [smem:$0x3FFE];
	_ =	sdelay $0x1  }
0x8a: {  	s1 =	srdreg.scid  }
0x8b: {  	s0 =	sand.u32 $0x1, s1  }
0x8c: {  	s17 =	sshll.u32 s0, $0xA;
	s2 =	sadd.s32 s3, s2  }
0x8d: {  	s2 =	sadd.s32 s2, s17  }
0x8e: {  	[smem:$0x3FC6] =	sst s2  }
0x8f: {  	_ = 	snop  }
0x90: {  	s2 =	sld [smem:$0x3FC8]  }
0x91: {  	s18 =	sld [smem:$0x3FD0];
	(tm) =	ssettm $0x1  }
0x92: {  	s4 =	sld [smem:$0x3FFB];
	_ =	sdelay $0x3  }
0x93: {  	_ =	strace s4  }
0x94: {  	s4 =	sld [smem:$0x3FFC];
	_ =	sdelay $0x3  }
0x95: {  	_ =	strace s4  }
0x96: {  	s4 =	sld [smem:$0x3FFD];
	_ =	sdelay $0x3  }
0x97: {  	_ =	strace s4  }
0x98: {  	_ =	strace $0x8FFFFFFF  }
0x99: {  	s19 =	sld [smem:$0x3FDB];
	_ =	sdelay $0x1  }
0x9a: {  	s5 =	simm.s32 $_scs_section_size  }
0x9b: {  	s6 =	simm.s32 $_size__tile_overlayer_lowered;
	s7 =	simm.s32 $_tile_overlayer_lowered  }
0x9c: {  	s22 =	simm.s32 $0x1BFF;
	s21 =	sshll.u32 s7, $0x1;
	s4 =	sadd.s32 s5, s19  }
0x9d: {  	s8 =	simm.s32 $0x0;
	s20 =	sshll.u32 s6, $0x1;
	s6 =	sadd.s32 s21, s4  }
0x9e: {  	[timem:s8], [sflag:s22] =	dma.local [hbm:s6], s20  }
0x9f: {  	_ =	swait.ge [sflag:s22], s20  }
0xa0: {  	s5 =	ssub.s32 $0x0, s20;
	[sflag:s22] =	ssyncset.done $0x0  }
0xa1: {  	[sflag:s22] =	ssyncadd.s32 s5;
	_ =	sdelay $0x1  }
0xa2: {  	s23 =	simm.s32 $0x1B8B  }
0xa3: {  	_ =	swait.ge [sflag:s23], $0x1  }
0xa4: {  	[sflag:s23] =	ssyncset.done $0x0  }
0xa5: {  	s25 =	simm.s32 $0x1B8E;
	s24 =	sld [smem:$0x3FFE];
	[sflag:s23] =	ssyncadd.s32 $0xFFFFFFFF  }
0xa6: {  	s26 =	simm.s32 $execute0_lowered;
	[smem:$0x3FD2] =	sst s25  }
0xa7: {  	s6 =	sshll.u32 s26, $0x1;
	_ =	strace $0x80000046;
	[dreg:$0x1] =	wrdreg $0xFFFFFFFF  }
0xa8: {  	s28 =	simm.s32 $_size_execute0_lowered;
	s4 =	sadd.s32 s4, s6;
	[dreg:$0x0] =	wrdreg $0x0  }
0xa9: {  	s6 =	sshll.u32 s28, $0x1;
	[dreg:$0x2] =	wrdreg s4  }
0xaa: {  	[dreg:$0x3] =	wrdreg s6  }
0xab: {  	[dreg:$0x4] =	wrdreg $0xC0  }
0xac: {  	_ =	task [dreg:s8], $0x5FFFF  }
0xad: {  	[dreg:$0x1] =	wrdreg $0xFFFFFFFF  }
0xae: {  	[dreg:$0x0] =	wrdreg $0x60  }
0xaf: {  	[dreg:$0x2] =	wrdreg s24  }
0xb0: {  	[dreg:$0x3] =	wrdreg s2  }
0xb1: {  	[dreg:$0x4] =	wrdreg s18  }
0xb2: {  	[dreg:$0x5] =	wrdreg $0x0  }
0xb3: {  	[dreg:$0x6] =	wrdreg $0x9  }
0xb4: {  	_ =	task.clear_ibuf [dreg:s8], $0x7FFFF;
	_ =	strace $0x90000046  }
0xb5: {  	s29 =	simm.s32 $0x9;
	_ =	strace $0x80000048  }
0xb6: {  	_ =	swait.ge [sflag:s29], $0x1  }
0xb7: {  	[sflag:s29] =	ssyncadd.s32 $0xFFFFFFFF  }
0xb8: {  	_ =	strace $0x90000048  }
0xb9: {  	_ =	sfence  }
0xba: {  	s30 =	sld [smem:$0x0];
	_ =	sdelay $0x2  }
0xbb: {  	s31 =	sshll.u32 s1, $0xD;
	s1 =	sshrl.u32 s1, $0x2  }
0xbc: {  	s3 =	sand.u32 $0x4000, s31;
	s1 =	sadd.s32 s1, s30  }
0xbd: {  	s0 =	sor.u32 s3, s0;
	s1 =	sshll.u32 s1, $0x11  }
0xbe: {  	s0 =	sor.u32 s1, s0  }
0xbf: {  	s0 =	sadd.s32 $0x8F2B, s0  }
0xc0: {  	[sflag:s0] =	ssyncadd.remote.s32 $0x1  }
0xc1: {  	_ =	sfence.sel $0xFFFF  }
0xc2: {  	[dreg:$0x0] =	wrdreg $0xFFFFFFFF;
	(pc) =	sbr.abs _section_cstart, $3  }
0xc3: {  	[dreg:$0x1] =	wrdreg $0xFFFFFFFF  }
0xc4: {  	_ =	task.clear_ibuf [dreg:s8], $0x2FFFF;
	_ =	strace $0x9FFFFFFF  }
0xc5: {  	(tm) =	ssettm $0x7FFFFFFF  }
tec
execute0_lowered:
.L_overlay_start_1:
0x0: {  	(tag) =	ssettag $0x1  }
0x1: {  	s1 =	srdreg.scid;
	s0 =	stileid.u32  }
0x2: {  	s3 =	sand.u32 $0x1, s1;
	s24 =	sshll.u32 s0, $0x1  }
0x3: {  	s4 =	rddreg [dreg:$0x0];
	s5 =	sor.u32 s3, s24  }
0x4: {  	s2 =	rddreg [dreg:$0x1];
	s7 =	smul.u32 $0x2400, s5  }
0x5: {  	s6 =	rddreg [dreg:$0x2]  }
0x6: {  	[dreg:$0x5] =	wrdreg s2;
	s7 =	sshrl.u32 s7, $0x3  }
0x7: {  	s2 =	rddreg [dreg:$0x3];
	s1 =	simm.s32 $0x0;
	s4 =	sadd.s32 s7, s4  }
0x8: {  	[smem:$0x7FF] =	sst s1;
	s7 =	sadd.s32 $0x400, s4  }
0x9: {  	_ =	strace $0x80000047;
	s25 =	sadd.s32 $0x410, s4;
	[dreg:$0x6] =	wrdreg s7  }
0xa: {  	s26 =	sadd.s32 $0x420, s4;
	[dreg:$0x7] =	wrdreg s25  }
0xb: {  	s8 =	sadd.s32 $0x430, s4;
	[dreg:$0x8] =	wrdreg s26  }
0xc: {  	s9 =	sadd.s32 $0x440, s4;
	[dreg:$0x9] =	wrdreg s8  }
0xd: {  	s10 =	sadd.s32 $0x450, s4;
	[dreg:$0xa] =	wrdreg s9  }
0xe: {  	s11 =	sadd.s32 $0x460, s4;
	[dreg:$0xb] =	wrdreg s10  }
0xf: {  	s12 =	sadd.s32 $0x470, s4;
	[dreg:$0xc] =	wrdreg s11  }
0x10: {  	s13 =	sadd.s32 $0x580, s4;
	[dreg:$0xd] =	wrdreg s12  }
0x11: {  	s14 =	sadd.s32 $0x590, s4;
	[dreg:$0xe] =	wrdreg s13  }
0x12: {  	s15 =	sadd.s32 $0x5A0, s4;
	[dreg:$0xf] =	wrdreg s14  }
0x13: {  	s16 =	sadd.s32 $0x5B0, s4;
	[dreg:$0x10] =	wrdreg s15  }
0x14: {  	s17 =	sadd.s32 $0x5C0, s4;
	[dreg:$0x11] =	wrdreg s16  }
0x15: {  	s18 =	sadd.s32 $0x5D0, s4;
	[dreg:$0x12] =	wrdreg s17  }
0x16: {  	s19 =	sadd.s32 $0x5E0, s4;
	[dreg:$0x13] =	wrdreg s18  }
0x17: {  	s20 =	sadd.s32 $0x5F0, s4;
	[dreg:$0x14] =	wrdreg s19  }
0x18: {  	s21 =	sadd.s32 $0x700, s4;
	[dreg:$0x15] =	wrdreg s20  }
0x19: {  	s22 =	sadd.s32 $0x710, s4;
	[dreg:$0x16] =	wrdreg s21;
	s8 =	smul.u32 $0xC8000, s5  }
0x1a: {  	s23 =	sadd.s32 $0x720, s4;
	[dreg:$0x17] =	wrdreg s22;
	s5 =	smul.u32 $0x19000, s5  }
0x1b: {  	s4 =	sadd.s32 $0x730, s4;
	[dreg:$0x18] =	wrdreg s23;
	s24 =	sshrl.u32 s8, $0x3  }
0x1c: {  	[dreg:$0x19] =	wrdreg s4;
	s25 =	sadd.s32 s6, s5;
	s26 =	sadd.s32 s6, s24  }
0x1d: {  	[dreg:$0x1a] =	wrdreg s25;
	s7 =	sadd.s32 $0x1400, s26  }
0x1e: {  	s8 =	sadd.s32 $0x2800, s26;
	[dreg:$0x1b] =	wrdreg s7  }
0x1f: {  	s9 =	sadd.s32 $0x3C00, s26;
	[dreg:$0x1c] =	wrdreg s8  }
0x20: {  	s10 =	sadd.s32 $0x5000, s26;
	[dreg:$0x1d] =	wrdreg s9  }
0x21: {  	s11 =	sadd.s32 $0x6400, s26;
	[dreg:$0x1e] =	wrdreg s10  }
0x22: {  	s12 =	sadd.s32 $0x7800, s26;
	[dreg:$0x1f] =	wrdreg s11  }
0x23: {  	s13 =	sadd.s32 $0x8C00, s26;
	[smem:$0x7F0] =	sst s12  }
0x24: {  	s14 =	sadd.s32 $0xA000, s26;
	[smem:$0x7F1] =	sst s13  }
0x25: {  	s30 =	simm.s32 $0x80;
	s15 =	sadd.s32 $0xB400, s26;
	[smem:$0x7F2] =	sst s14  }
0x26: {  	s31 =	simm.s32 $0x400;
	s16 =	sadd.s32 $0xC800, s26;
	[smem:$0x7F3] =	sst s15  }
0x27: {  	s29 =	simm.s32 $0xAC0;
	s17 =	sadd.s32 $0xDC00, s26;
	[smem:$0x7F4] =	sst s16  }
0x28: {  	s28 =	simm.s32 $0xC40;
	s18 =	sadd.s32 $0xF000, s26;
	[smem:$0x7F5] =	sst s17  }
0x29: {  	p1 =	por $0x0, $0x0;
	s19 =	sadd.s32 $0x10400, s26;
	[smem:$0x7F6] =	sst s18  }
0x2a: {  	p0 =	sne.s32 s0, $0x0;
	s20 =	sadd.s32 $0x11800, s26;
	[smem:$0x7F7] =	sst s19  }
0x2b: {  	s3 =	ssub.s32 $0x2, s3;
	s21 =	sadd.s32 $0x12C00, s26;
	[smem:$0x7F8] =	sst s20  }
0x2c: {  	s4 =	simm.s32 $0xC440;
	s22 =	sadd.s32 $0x14000, s26;
	[smem:$0x7F9] =	sst s21  }
0x2d: {  	s5 =	simm.s32 $0x2;
	s23 =	sadd.s32 $0x15400, s26;
	[smem:$0x7FA] =	sst s22  }
0x2e: {  	s24 =	sshrl.u32 s3, $0x1;
	s25 =	sadd.s32 $0x16800, s26;
	[smem:$0x7FB] =	sst s23  }
0x2f: {  	s6 =	simm.s32 $0x7C0;
	s26 =	sadd.s32 $0x17C00, s26;
	[smem:$0x7FC] =	sst s25  }
0x30: {  	s3 =	ssub.s32 s3, s24;
	s24 =	simm.s32 $0x10C0;
	[smem:$0x7FD] =	sst s26  }
0x31: {  	s3 =	smax.u32 s3, $0x1;
	s26 =	simm.s32 $0xDC0;
	s25 =	simm.s32 $0xF40  }
0x32: {  	s23 =	simm.s32 $0x1240;
	s22 =	simm.s32 $0x13C0;
	s0 =	sadd.s32 $0xFFFFFFFF, s3  }
0x33: {  	s21 =	simm.s32 $0x1540;
	s20 =	simm.s32 $0x16C0;
	p2 =	sne.s32 s0, $0x0  }
.Ltmp0:
0x34: {  	s19 =	simm.s32 $0x1840;
	s18 =	simm.s32 $0x19C0;
	(pc) =	sbr.rel @!p2 .LBB2_5-.Ltmp0, $4  }
0x35: {  	s17 =	simm.s32 $0x1B40;
	s16 =	simm.s32 $0x1CC0;
	s15 =	simm.s32 $0x1E40  }
0x36: {  	s14 =	simm.s32 $0x1FC0;
	s13 =	simm.s32 $0x2140;
	s12 =	simm.s32 $0x22C0  }
0x37: {  	s8 =	simm.s32 $0x1;
	s9 =	simm.s32 $0x140;
	s7 =	simm.s32 $0x2440  }
0x38: {  	s11 =	rddreg [dreg:$0x5];
	s10 =	sshrl.u32 @!p0 s2, $0x3;
	s3 =	simm.s32 $0x3  }
0x39: {  	s2 =	simm.s32 @!p0 $0x1C04;
	[smem:$0x7EF] =	sst s0;
	s0 =	simm.s32 @!p0 $0x4  }
0x3a: {  	[spmem:s10], [sflag:s2] =	dma.local @!p0 [hbm:s11], $0xC80  }
0x3b: {  	_ =	swait.ge @!p0 [sflag:s0], $0xC80  }
0x3c: {  	s11 =	rddreg [dreg:$0x6];
	[sflag:s0] =	ssyncset.done @!p0 $0x0  }
0x3d: {  	s2 =	simm.s32 $0x640;
	[smem:$0x7EE] =	sst s10;
	[sflag:s0] =	ssyncadd.s32 @!p0 $0xFFFFF380  }
0x3e: {  	[tilespmem:s2], [sflag:$0x1] =	stream.strided.gather [hbm4b:s11+s30], $0x180, s31, s30, $0x38;
	[tilespmem:$0x16440] =	vst v63  }
0x3f: {  	s0 =	rddreg [dreg:$0x7]  }
0x40: {  	[tilespmem:s6], [sflag:$0x1] =	stream.strided.gather [hbm4b:s0+s30], $0x180, s31, s30, $0x38;
	[tilespmem:$0x16440] =	vst v63  }
0x41: {  	s11 =	rddreg [dreg:$0x8];
	s0 =	simm.s32 $0x940  }
0x42: {  	[tilespmem:s0], [sflag:$0x1] =	stream.strided.gather [hbm4b:s11+s30], $0x180, s31, s30, $0x38;
	[tilespmem:$0x16440] =	vst v63  }
0x43: {  	s10 =	rddreg [dreg:$0x9]  }
0x44: {  	[tilespmem:s29], [sflag:$0x1] =	stream.strided.gather [hbm4b:s10+s30], $0x180, s31, s30, $0x38;
	[tilespmem:$0x16440] =	vst v63  }
0x45: {  	s11 =	rddreg [dreg:$0xa]  }
0x46: {  	[tilespmem:s28], [sflag:$0x1] =	stream.strided.gather [hbm4b:s11+s30], $0x180, s31, s30, $0x38;
	[tilespmem:$0x16440] =	vst v63  }
0x47: {  	s10 =	rddreg [dreg:$0xb]  }
0x48: {  	[tilespmem:s26], [sflag:$0x1] =	stream.strided.gather [hbm4b:s10+s30], $0x180, s31, s30, $0x38;
	[tilespmem:$0x16440] =	vst v63  }
0x49: {  	s11 =	rddreg [dreg:$0xc]  }
0x4a: {  	[tilespmem:s25], [sflag:$0x1] =	stream.strided.gather [hbm4b:s11+s30], $0x180, s31, s30, $0x38;
	[tilespmem:$0x16440] =	vst v63  }
0x4b: {  	s10 =	rddreg [dreg:$0xd]  }
0x4c: {  	[tilespmem:s24], [sflag:$0x1] =	stream.strided.gather [hbm4b:s10+s30], $0x180, s31, s30, $0x38;
	[tilespmem:$0x16440] =	vst v63  }
0x4d: {  	s11 =	rddreg [dreg:$0xe]  }
0x4e: {  	[tilespmem:s23], [sflag:$0x1] =	stream.strided.gather [hbm4b:s11+s30], $0x180, s31, s30, $0x38;
	[tilespmem:$0x16440] =	vst v63  }
0x4f: {  	s10 =	rddreg [dreg:$0xf]  }
0x50: {  	[tilespmem:s22], [sflag:$0x1] =	stream.strided.gather [hbm4b:s10+s30], $0x180, s31, s30, $0x38;
	[tilespmem:$0x16440] =	vst v63  }
0x51: {  	s11 =	rddreg [dreg:$0x10]  }
0x52: {  	[tilespmem:s21], [sflag:$0x1] =	stream.strided.gather [hbm4b:s11+s30], $0x180, s31, s30, $0x38;
	[tilespmem:$0x16440] =	vst v63  }
0x53: {  	s10 =	rddreg [dreg:$0x11]  }
0x54: {  	[tilespmem:s20], [sflag:$0x1] =	stream.strided.gather [hbm4b:s10+s30], $0x180, s31, s30, $0x38;
	[tilespmem:$0x16440] =	vst v63  }
0x55: {  	s11 =	rddreg [dreg:$0x12]  }
0x56: {  	[tilespmem:s19], [sflag:$0x1] =	stream.strided.gather [hbm4b:s11+s30], $0x180, s31, s30, $0x38;
	[tilespmem:$0x16440] =	vst v63  }
0x57: {  	s10 =	rddreg [dreg:$0x13]  }
0x58: {  	[tilespmem:s18], [sflag:$0x1] =	stream.strided.gather [hbm4b:s10+s30], $0x180, s31, s30, $0x38;
	[tilespmem:$0x16440] =	vst v63  }
0x59: {  	s11 =	rddreg [dreg:$0x14]  }
0x5a: {  	[tilespmem:s17], [sflag:$0x1] =	stream.strided.gather [hbm4b:s11+s30], $0x180, s31, s30, $0x38;
	[tilespmem:$0x16440] =	vst v63  }
0x5b: {  	s10 =	rddreg [dreg:$0x15]  }
0x5c: {  	[tilespmem:s16], [sflag:$0x1] =	stream.strided.gather [hbm4b:s10+s30], $0x180, s31, s30, $0x38;
	[tilespmem:$0x16440] =	vst v63  }
0x5d: {  	s11 =	rddreg [dreg:$0x16]  }
0x5e: {  	[tilespmem:s15], [sflag:$0x1] =	stream.strided.gather [hbm4b:s11+s30], $0x180, s31, s30, $0x38;
	[tilespmem:$0x16440] =	vst v63  }
0x5f: {  	s10 =	rddreg [dreg:$0x17]  }
0x60: {  	[tilespmem:s14], [sflag:$0x1] =	stream.strided.gather [hbm4b:s10+s30], $0x180, s31, s30, $0x38;
	[tilespmem:$0x16440] =	vst v63  }
0x61: {  	s11 =	rddreg [dreg:$0x18]  }
0x62: {  	[tilespmem:s13], [sflag:$0x1] =	stream.strided.gather [hbm4b:s11+s30], $0x180, s31, s30, $0x38;
	[tilespmem:$0x16440] =	vst v63  }
0x63: {  	s10 =	rddreg [dreg:$0x19]  }
0x64: {  	[tilespmem:s12], [sflag:$0x1] =	stream.strided.gather [hbm4b:s10+s30], $0x180, s31, s30, $0x38;
	[tilespmem:$0x16440] =	vst v63  }
0x65: {  	[bflag:$0x0] =	sbarrier.arrive $0xFFFF  }
0x66: {  	_ =	swait.ge [sflag:s8], $0x180  }
0x67: {  	[sflag:s8] =	ssyncset.done $0x0  }
0x68: {  	[sflag:s8] =	ssyncadd.s32 $0xFFFFFE80  }
0x69: {  	s11 =	rddreg [dreg:$0x3]  }
0x6a: {  	[tilespmem:s7], [sflag:$0x2] =	stream.indirect.gather [spmem:s11], $0x80, s2, s9, $0xb8;
	[tilespmem:$0x16440] =	vst v63  }
0x6b: {  	s2 =	rddreg [dreg:$0x3];
	_ =	swait.ge [sflag:s8], $0x180  }
0x6c: {  	[sflag:s8] =	ssyncset.done $0x0  }
0x6d: {  	[sflag:s8] =	ssyncadd.s32 $0xFFFFFE80  }
0x6e: {  	[tilespmem:s4], [sflag:$0x2] =	stream.indirect.gather [spmem:s2], $0x80, s6, s9, $0xb8;
	[tilespmem:$0x16440] =	vst v63  }
0x6f: {  	_ =	swait.ge [sflag:s5], $0xA000  }
0x70: {  	[sflag:s5] =	ssyncset.done $0x0  }
0x71: {  	s11 =	rddreg [dreg:$0x1a];
	[sflag:s5] =	ssyncadd.s32 $0xFFFF6000  }
0x72: {  	[hbm4b:s11+s1] =	stream.linear.scatter [tilespmem:s7], [sflag:$0x3], $0xA000, $0x38;
	[tilespmem:$0x16440] =	vst v63  }
0x73: {  	_ =	swait.ge [sflag:s3], $0xA000  }
0x74: {  	[sflag:s3] =	ssyncset.done $0x0  }
0x75: {  	[sflag:s3] =	ssyncadd.s32 $0xFFFF6000  }
0x76: {  	_ =	swait.ge [sflag:s8], $0x180  }
0x77: {  	[sflag:s8] =	ssyncset.done $0x0  }
0x78: {  	[sflag:s8] =	ssyncadd.s32 $0xFFFFFE80  }
0x79: {  	[tilespmem:s7], [sflag:$0x2] =	stream.indirect.gather [spmem:s2], $0x80, s0, s9, $0xb8;
	[tilespmem:$0x16440] =	vst v63  }
0x7a: {  	_ =	swait.ge [sflag:s5], $0xA000  }
0x7b: {  	[sflag:s5] =	ssyncset.done $0x0  }
0x7c: {  	s6 =	rddreg [dreg:$0x1b];
	[sflag:s5] =	ssyncadd.s32 $0xFFFF6000  }
0x7d: {  	[hbm4b:s6+s1] =	stream.linear.scatter [tilespmem:s4], [sflag:$0x3], $0xA000, $0x38;
	[tilespmem:$0x16440] =	vst v63  }
0x7e: {  	_ =	swait.ge [sflag:s3], $0xA000  }
0x7f: {  	[sflag:s3] =	ssyncset.done $0x0  }
0x80: {  	[sflag:s3] =	ssyncadd.s32 $0xFFFF6000  }
0x81: {  	_ =	swait.ge [sflag:s8], $0x180  }
0x82: {  	[sflag:s8] =	ssyncset.done $0x0  }
0x83: {  	[sflag:s8] =	ssyncadd.s32 $0xFFFFFE80  }
0x84: {  	[tilespmem:s4], [sflag:$0x2] =	stream.indirect.gather [spmem:s2], $0x80, s29, s9, $0xb8;
	[tilespmem:$0x16440] =	vst v63  }
0x85: {  	_ =	swait.ge [sflag:s5], $0xA000  }
0x86: {  	[sflag:s5] =	ssyncset.done $0x0  }
0x87: {  	s11 =	rddreg [dreg:$0x1c];
	[sflag:s5] =	ssyncadd.s32 $0xFFFF6000  }
0x88: {  	[hbm4b:s11+s1] =	stream.linear.scatter [tilespmem:s7], [sflag:$0x3], $0xA000, $0x38;
	[tilespmem:$0x16440] =	vst v63  }
0x89: {  	_ =	swait.ge [sflag:s3], $0xA000  }
0x8a: {  	[sflag:s3] =	ssyncset.done $0x0  }
0x8b: {  	[sflag:s3] =	ssyncadd.s32 $0xFFFF6000  }
0x8c: {  	_ =	swait.ge [sflag:s8], $0x180  }
0x8d: {  	[sflag:s8] =	ssyncset.done $0x0  }
0x8e: {  	[sflag:s8] =	ssyncadd.s32 $0xFFFFFE80  }
0x8f: {  	[tilespmem:s7], [sflag:$0x2] =	stream.indirect.gather [spmem:s2], $0x80, s28, s9, $0xb8;
	[tilespmem:$0x16440] =	vst v63  }
0x90: {  	_ =	swait.ge [sflag:s5], $0xA000  }
0x91: {  	[sflag:s5] =	ssyncset.done $0x0  }
0x92: {  	s0 =	rddreg [dreg:$0x1d];
	[sflag:s5] =	ssyncadd.s32 $0xFFFF6000  }
0x93: {  	[hbm4b:s0+s1] =	stream.linear.scatter [tilespmem:s4], [sflag:$0x3], $0xA000, $0x38;
	[tilespmem:$0x16440] =	vst v63  }
0x94: {  	_ =	swait.ge [sflag:s3], $0xA000  }
0x95: {  	[sflag:s3] =	ssyncset.done $0x0  }
0x96: {  	[sflag:s3] =	ssyncadd.s32 $0xFFFF6000  }
0x97: {  	_ =	swait.ge [sflag:s8], $0x180  }
0x98: {  	[sflag:s8] =	ssyncset.done $0x0  }
0x99: {  	[sflag:s8] =	ssyncadd.s32 $0xFFFFFE80  }
0x9a: {  	[tilespmem:s4], [sflag:$0x2] =	stream.indirect.gather [spmem:s2], $0x80, s26, s9, $0xb8;
	[tilespmem:$0x16440] =	vst v63  }
0x9b: {  	_ =	swait.ge [sflag:s5], $0xA000  }
0x9c: {  	[sflag:s5] =	ssyncset.done $0x0  }
0x9d: {  	s6 =	rddreg [dreg:$0x1e];
	[sflag:s5] =	ssyncadd.s32 $0xFFFF6000  }
0x9e: {  	[hbm4b:s6+s1] =	stream.linear.scatter [tilespmem:s7], [sflag:$0x3], $0xA000, $0x38;
	[tilespmem:$0x16440] =	vst v63  }
0x9f: {  	_ =	swait.ge [sflag:s3], $0xA000  }
0xa0: {  	[sflag:s3] =	ssyncset.done $0x0  }
0xa1: {  	[sflag:s3] =	ssyncadd.s32 $0xFFFF6000  }
0xa2: {  	_ =	swait.ge [sflag:s8], $0x180  }
0xa3: {  	[sflag:s8] =	ssyncset.done $0x0  }
0xa4: {  	[sflag:s8] =	ssyncadd.s32 $0xFFFFFE80  }
0xa5: {  	[tilespmem:s7], [sflag:$0x2] =	stream.indirect.gather [spmem:s2], $0x80, s25, s9, $0xb8;
	[tilespmem:$0x16440] =	vst v63  }
0xa6: {  	_ =	swait.ge [sflag:s5], $0xA000  }
0xa7: {  	[sflag:s5] =	ssyncset.done $0x0  }
0xa8: {  	s11 =	rddreg [dreg:$0x1f];
	[sflag:s5] =	ssyncadd.s32 $0xFFFF6000  }
0xa9: {  	[hbm4b:s11+s1] =	stream.linear.scatter [tilespmem:s4], [sflag:$0x3], $0xA000, $0x38;
	[tilespmem:$0x16440] =	vst v63  }
0xaa: {  	_ =	swait.ge [sflag:s3], $0xA000  }
0xab: {  	[sflag:s3] =	ssyncset.done $0x0  }
0xac: {  	[sflag:s3] =	ssyncadd.s32 $0xFFFF6000  }
0xad: {  	_ =	swait.ge [sflag:s8], $0x180  }
0xae: {  	[sflag:s8] =	ssyncset.done $0x0  }
0xaf: {  	[sflag:s8] =	ssyncadd.s32 $0xFFFFFE80  }
0xb0: {  	[tilespmem:s4], [sflag:$0x2] =	stream.indirect.gather [spmem:s2], $0x80, s24, s9, $0xb8;
	[tilespmem:$0x16440] =	vst v63  }
0xb1: {  	_ =	swait.ge [sflag:s5], $0xA000  }
0xb2: {  	s0 =	sld [smem:$0x7F0]  }
0xb3: {  	[sflag:s5] =	ssyncset.done $0x0  }
0xb4: {  	[sflag:s5] =	ssyncadd.s32 $0xFFFF6000  }
0xb5: {  	[hbm4b:s0+s1] =	stream.linear.scatter [tilespmem:s7], [sflag:$0x3], $0xA000, $0x38;
	[tilespmem:$0x16440] =	vst v63  }
0xb6: {  	_ =	swait.ge [sflag:s3], $0xA000  }
0xb7: {  	[sflag:s3] =	ssyncset.done $0x0  }
0xb8: {  	[sflag:s3] =	ssyncadd.s32 $0xFFFF6000  }
0xb9: {  	_ =	swait.ge [sflag:s8], $0x180  }
0xba: {  	[sflag:s8] =	ssyncset.done $0x0  }
0xbb: {  	[sflag:s8] =	ssyncadd.s32 $0xFFFFFE80  }
0xbc: {  	[tilespmem:s7], [sflag:$0x2] =	stream.indirect.gather [spmem:s2], $0x80, s23, s9, $0xb8;
	[tilespmem:$0x16440] =	vst v63  }
0xbd: {  	_ =	swait.ge [sflag:s5], $0xA000  }
0xbe: {  	s6 =	sld [smem:$0x7F1]  }
0xbf: {  	[sflag:s5] =	ssyncset.done $0x0  }
0xc0: {  	[sflag:s5] =	ssyncadd.s32 $0xFFFF6000  }
0xc1: {  	[hbm4b:s6+s1] =	stream.linear.scatter [tilespmem:s4], [sflag:$0x3], $0xA000, $0x38;
	[tilespmem:$0x16440] =	vst v63  }
0xc2: {  	_ =	swait.ge [sflag:s3], $0xA000  }
0xc3: {  	[sflag:s3] =	ssyncset.done $0x0  }
0xc4: {  	[sflag:s3] =	ssyncadd.s32 $0xFFFF6000  }
0xc5: {  	_ =	swait.ge [sflag:s8], $0x180  }
0xc6: {  	[sflag:s8] =	ssyncset.done $0x0  }
0xc7: {  	[sflag:s8] =	ssyncadd.s32 $0xFFFFFE80  }
0xc8: {  	[tilespmem:s4], [sflag:$0x2] =	stream.indirect.gather [spmem:s2], $0x80, s22, s9, $0xb8;
	[tilespmem:$0x16440] =	vst v63  }
0xc9: {  	_ =	swait.ge [sflag:s5], $0xA000  }
0xca: {  	s11 =	sld [smem:$0x7F2]  }
0xcb: {  	[sflag:s5] =	ssyncset.done $0x0  }
0xcc: {  	[sflag:s5] =	ssyncadd.s32 $0xFFFF6000  }
0xcd: {  	[hbm4b:s11+s1] =	stream.linear.scatter [tilespmem:s7], [sflag:$0x3], $0xA000, $0x38;
	[tilespmem:$0x16440] =	vst v63  }
0xce: {  	_ =	swait.ge [sflag:s3], $0xA000  }
0xcf: {  	[sflag:s3] =	ssyncset.done $0x0  }
0xd0: {  	[sflag:s3] =	ssyncadd.s32 $0xFFFF6000  }
0xd1: {  	_ =	swait.ge [sflag:s8], $0x180  }
0xd2: {  	[sflag:s8] =	ssyncset.done $0x0  }
0xd3: {  	[sflag:s8] =	ssyncadd.s32 $0xFFFFFE80  }
0xd4: {  	[tilespmem:s7], [sflag:$0x2] =	stream.indirect.gather [spmem:s2], $0x80, s21, s9, $0xb8;
	[tilespmem:$0x16440] =	vst v63  }
0xd5: {  	_ =	swait.ge [sflag:s5], $0xA000  }
0xd6: {  	s0 =	sld [smem:$0x7F3]  }
0xd7: {  	[sflag:s5] =	ssyncset.done $0x0  }
0xd8: {  	[sflag:s5] =	ssyncadd.s32 $0xFFFF6000  }
0xd9: {  	[hbm4b:s0+s1] =	stream.linear.scatter [tilespmem:s4], [sflag:$0x3], $0xA000, $0x38;
	[tilespmem:$0x16440] =	vst v63  }
0xda: {  	_ =	swait.ge [sflag:s3], $0xA000  }
0xdb: {  	[sflag:s3] =	ssyncset.done $0x0  }
0xdc: {  	[sflag:s3] =	ssyncadd.s32 $0xFFFF6000  }
0xdd: {  	_ =	swait.ge [sflag:s8], $0x180  }
0xde: {  	[sflag:s8] =	ssyncset.done $0x0  }
0xdf: {  	[sflag:s8] =	ssyncadd.s32 $0xFFFFFE80  }
0xe0: {  	[tilespmem:s4], [sflag:$0x2] =	stream.indirect.gather [spmem:s2], $0x80, s20, s9, $0xb8;
	[tilespmem:$0x16440] =	vst v63  }
0xe1: {  	_ =	swait.ge [sflag:s5], $0xA000  }
0xe2: {  	s6 =	sld [smem:$0x7F4]  }
0xe3: {  	[sflag:s5] =	ssyncset.done $0x0  }
0xe4: {  	[sflag:s5] =	ssyncadd.s32 $0xFFFF6000  }
0xe5: {  	[hbm4b:s6+s1] =	stream.linear.scatter [tilespmem:s7], [sflag:$0x3], $0xA000, $0x38;
	[tilespmem:$0x16440] =	vst v63  }
0xe6: {  	_ =	swait.ge [sflag:s3], $0xA000  }
0xe7: {  	[sflag:s3] =	ssyncset.done $0x0  }
0xe8: {  	[sflag:s3] =	ssyncadd.s32 $0xFFFF6000  }
0xe9: {  	_ =	swait.ge [sflag:s8], $0x180  }
0xea: {  	[sflag:s8] =	ssyncset.done $0x0  }
0xeb: {  	[sflag:s8] =	ssyncadd.s32 $0xFFFFFE80  }
0xec: {  	[tilespmem:s7], [sflag:$0x2] =	stream.indirect.gather [spmem:s2], $0x80, s19, s9, $0xb8;
	[tilespmem:$0x16440] =	vst v63  }
0xed: {  	_ =	swait.ge [sflag:s5], $0xA000  }
0xee: {  	s11 =	sld [smem:$0x7F5]  }
0xef: {  	[sflag:s5] =	ssyncset.done $0x0  }
0xf0: {  	[sflag:s5] =	ssyncadd.s32 $0xFFFF6000  }
0xf1: {  	[hbm4b:s11+s1] =	stream.linear.scatter [tilespmem:s4], [sflag:$0x3], $0xA000, $0x38;
	[tilespmem:$0x16440] =	vst v63  }
0xf2: {  	_ =	swait.ge [sflag:s3], $0xA000  }
0xf3: {  	[sflag:s3] =	ssyncset.done $0x0  }
0xf4: {  	[sflag:s3] =	ssyncadd.s32 $0xFFFF6000  }
0xf5: {  	_ =	swait.ge [sflag:s8], $0x180  }
0xf6: {  	[sflag:s8] =	ssyncset.done $0x0  }
0xf7: {  	[sflag:s8] =	ssyncadd.s32 $0xFFFFFE80  }
0xf8: {  	[tilespmem:s4], [sflag:$0x2] =	stream.indirect.gather [spmem:s2], $0x80, s18, s9, $0xb8;
	[tilespmem:$0x16440] =	vst v63  }
0xf9: {  	_ =	swait.ge [sflag:s5], $0xA000  }
0xfa: {  	s0 =	sld [smem:$0x7F6]  }
0xfb: {  	[sflag:s5] =	ssyncset.done $0x0  }
0xfc: {  	[sflag:s5] =	ssyncadd.s32 $0xFFFF6000  }
0xfd: {  	[hbm4b:s0+s1] =	stream.linear.scatter [tilespmem:s7], [sflag:$0x3], $0xA000, $0x38;
	[tilespmem:$0x16440] =	vst v63  }
0xfe: {  	_ =	swait.ge [sflag:s3], $0xA000  }
0xff: {  	[sflag:s3] =	ssyncset.done $0x0  }
0x100: {  	[sflag:s3] =	ssyncadd.s32 $0xFFFF6000  }
0x101: {  	_ =	swait.ge [sflag:s8], $0x180  }
0x102: {  	[sflag:s8] =	ssyncset.done $0x0  }
0x103: {  	[sflag:s8] =	ssyncadd.s32 $0xFFFFFE80  }
0x104: {  	[tilespmem:s7], [sflag:$0x2] =	stream.indirect.gather [spmem:s2], $0x80, s17, s9, $0xb8;
	[tilespmem:$0x16440] =	vst v63  }
0x105: {  	_ =	swait.ge [sflag:s5], $0xA000  }
0x106: {  	s6 =	sld [smem:$0x7F7]  }
0x107: {  	[sflag:s5] =	ssyncset.done $0x0  }
0x108: {  	[sflag:s5] =	ssyncadd.s32 $0xFFFF6000  }
0x109: {  	[hbm4b:s6+s1] =	stream.linear.scatter [tilespmem:s4], [sflag:$0x3], $0xA000, $0x38;
	[tilespmem:$0x16440] =	vst v63  }
0x10a: {  	_ =	swait.ge [sflag:s3], $0xA000  }
0x10b: {  	[sflag:s3] =	ssyncset.done $0x0  }
0x10c: {  	[sflag:s3] =	ssyncadd.s32 $0xFFFF6000  }
0x10d: {  	_ =	swait.ge [sflag:s8], $0x180  }
0x10e: {  	[sflag:s8] =	ssyncset.done $0x0  }
0x10f: {  	[sflag:s8] =	ssyncadd.s32 $0xFFFFFE80  }
0x110: {  	[tilespmem:s4], [sflag:$0x2] =	stream.indirect.gather [spmem:s2], $0x80, s16, s9, $0xb8;
	[tilespmem:$0x16440] =	vst v63  }
0x111: {  	_ =	swait.ge [sflag:s5], $0xA000  }
0x112: {  	s11 =	sld [smem:$0x7F8]  }
0x113: {  	[sflag:s5] =	ssyncset.done $0x0  }
0x114: {  	[sflag:s5] =	ssyncadd.s32 $0xFFFF6000  }
0x115: {  	[hbm4b:s11+s1] =	stream.linear.scatter [tilespmem:s7], [sflag:$0x3], $0xA000, $0x38;
	[tilespmem:$0x16440] =	vst v63  }
0x116: {  	_ =	swait.ge [sflag:s3], $0xA000  }
0x117: {  	[sflag:s3] =	ssyncset.done $0x0  }
0x118: {  	[sflag:s3] =	ssyncadd.s32 $0xFFFF6000  }
0x119: {  	_ =	swait.ge [sflag:s8], $0x180  }
0x11a: {  	[sflag:s8] =	ssyncset.done $0x0  }
0x11b: {  	[sflag:s8] =	ssyncadd.s32 $0xFFFFFE80  }
0x11c: {  	[tilespmem:s7], [sflag:$0x2] =	stream.indirect.gather [spmem:s2], $0x80, s15, s9, $0xb8;
	[tilespmem:$0x16440] =	vst v63  }
0x11d: {  	_ =	swait.ge [sflag:s5], $0xA000  }
0x11e: {  	s0 =	sld [smem:$0x7F9]  }
0x11f: {  	[sflag:s5] =	ssyncset.done $0x0  }
0x120: {  	[sflag:s5] =	ssyncadd.s32 $0xFFFF6000  }
0x121: {  	[hbm4b:s0+s1] =	stream.linear.scatter [tilespmem:s4], [sflag:$0x3], $0xA000, $0x38;
	[tilespmem:$0x16440] =	vst v63  }
0x122: {  	_ =	swait.ge [sflag:s3], $0xA000  }
0x123: {  	[sflag:s3] =	ssyncset.done $0x0  }
0x124: {  	[sflag:s3] =	ssyncadd.s32 $0xFFFF6000  }
0x125: {  	_ =	swait.ge [sflag:s8], $0x180  }
0x126: {  	[sflag:s8] =	ssyncset.done $0x0  }
0x127: {  	[sflag:s8] =	ssyncadd.s32 $0xFFFFFE80  }
0x128: {  	[tilespmem:s4], [sflag:$0x2] =	stream.indirect.gather [spmem:s2], $0x80, s14, s9, $0xb8;
	[tilespmem:$0x16440] =	vst v63  }
0x129: {  	_ =	swait.ge [sflag:s5], $0xA000  }
0x12a: {  	s6 =	sld [smem:$0x7FA]  }
0x12b: {  	[sflag:s5] =	ssyncset.done $0x0  }
0x12c: {  	[sflag:s5] =	ssyncadd.s32 $0xFFFF6000  }
0x12d: {  	[hbm4b:s6+s1] =	stream.linear.scatter [tilespmem:s7], [sflag:$0x3], $0xA000, $0x38;
	[tilespmem:$0x16440] =	vst v63  }
0x12e: {  	_ =	swait.ge [sflag:s3], $0xA000  }
0x12f: {  	[sflag:s3] =	ssyncset.done $0x0  }
0x130: {  	[sflag:s3] =	ssyncadd.s32 $0xFFFF6000  }
0x131: {  	_ =	swait.ge [sflag:s8], $0x180  }
0x132: {  	[sflag:s8] =	ssyncset.done $0x0  }
0x133: {  	[sflag:s8] =	ssyncadd.s32 $0xFFFFFE80  }
0x134: {  	[tilespmem:s7], [sflag:$0x2] =	stream.indirect.gather [spmem:s2], $0x80, s13, s9, $0xb8;
	[tilespmem:$0x16440] =	vst v63  }
0x135: {  	_ =	swait.ge [sflag:s5], $0xA000  }
0x136: {  	s11 =	sld [smem:$0x7FB]  }
0x137: {  	[sflag:s5] =	ssyncset.done $0x0  }
0x138: {  	[sflag:s5] =	ssyncadd.s32 $0xFFFF6000  }
0x139: {  	[hbm4b:s11+s1] =	stream.linear.scatter [tilespmem:s4], [sflag:$0x3], $0xA000, $0x38;
	[tilespmem:$0x16440] =	vst v63  }
0x13a: {  	_ =	swait.ge [sflag:s3], $0xA000  }
0x13b: {  	[sflag:s3] =	ssyncset.done $0x0  }
0x13c: {  	[sflag:s3] =	ssyncadd.s32 $0xFFFF6000  }
0x13d: {  	_ =	swait.ge [sflag:s8], $0x180  }
0x13e: {  	[sflag:s8] =	ssyncset.done $0x0  }
0x13f: {  	[sflag:s8] =	ssyncadd.s32 $0xFFFFFE80  }
0x140: {  	[tilespmem:s4], [sflag:$0x2] =	stream.indirect.gather [spmem:s2], $0x80, s12, s9, $0xb8;
	[tilespmem:$0x16440] =	vst v63  }
0x141: {  	_ =	swait.ge [sflag:s5], $0xA000  }
0x142: {  	s0 =	sld [smem:$0x7FC]  }
0x143: {  	[sflag:s5] =	ssyncset.done $0x0  }
0x144: {  	[sflag:s5] =	ssyncadd.s32 $0xFFFF6000  }
0x145: {  	[hbm4b:s0+s1] =	stream.linear.scatter [tilespmem:s7], [sflag:$0x3], $0xA000, $0x38;
	[tilespmem:$0x16440] =	vst v63  }
0x146: {  	_ =	swait.ge [sflag:s5], $0xA000  }
0x147: {  	s6 =	sld [smem:$0x7FD]  }
0x148: {  	[sflag:s5] =	ssyncset.done $0x0  }
0x149: {  	[sflag:s5] =	ssyncadd.s32 $0xFFFF6000  }
0x14a: {  	[hbm4b:s6+s1] =	stream.linear.scatter [tilespmem:s4], [sflag:$0x3], $0xA000, $0x38;
	[tilespmem:$0x16440] =	vst v63  }
0x14b: {  	_ =	swait.ge [sflag:s3], $0xA000  }
0x14c: {  	s11 =	sld [smem:$0x7EF];
	_ =	sdelay $0x2  }
0x14d: {  	s10 =	sadd.s32 $0xFFFFFFFF, s11  }
0x14e: {  	p2 =	sne.s32 s10, $0x0  }
.Ltmp1:
0x14f: {  	_ = 	snop;
	(pc) =	sbr.rel @!p2 .LBB2_2-.Ltmp1, $4  }
0x150: {  	[sflag:s3] =	ssyncset.done $0x0  }
0x151: {  	[sflag:s3] =	ssyncadd.s32 $0xFFFF6000  }
0x152: {  	_ =	swait.ge [sflag:s3], $0xA000  }
0x153: {  	p1 =	por $0x1, $0x1;
	s11 =	rddreg [dreg:$0x5];
	[sflag:s3] =	ssyncset.done $0x0  }
.LBB2_3:
0x154: {  	s1 =	sld [smem:$0x7EE];
	_ =	sdelay $0x1  }
0x155: {  	[sflag:s3] =	ssyncadd.s32 $0xFFFF6000;
	s0 =	simm.s32 @!p0 $0x1C04  }
0x156: {  	[spmem:s1], [sflag:s0] =	dma.local @!p0 [hbm:s11], $0xC80  }
0x157: {  	s0 =	simm.s32 @!p0 $0x4  }
0x158: {  	_ =	swait.ge @!p0 [sflag:s0], $0xC80  }
0x159: {  	[sflag:s0] =	ssyncset.done @!p0 $0x0  }
0x15a: {  	s2 =	simm.s32 $0x640;
	s11 =	rddreg [dreg:$0x6];
	[sflag:s0] =	ssyncadd.s32 @!p0 $0xFFFFF380  }
0x15b: {  	[tilespmem:s2], [sflag:$0x1] =	stream.strided.gather [hbm4b:s11+s30], $0x180, s31, s30, $0x38;
	[tilespmem:$0x16440] =	vst v63  }
0x15c: {  	s1 =	simm.s32 $0x7C0;
	s12 =	rddreg [dreg:$0x7]  }
0x15d: {  	[tilespmem:s1], [sflag:$0x1] =	stream.strided.gather [hbm4b:s12+s30], $0x180, s31, s30, $0x38;
	[tilespmem:$0x16440] =	vst v63  }
0x15e: {  	s6 =	simm.s32 $0x940;
	s11 =	rddreg [dreg:$0x8]  }
0x15f: {  	[tilespmem:s6], [sflag:$0x1] =	stream.strided.gather [hbm4b:s11+s30], $0x180, s31, s30, $0x38;
	[tilespmem:$0x16440] =	vst v63  }
0x160: {  	s0 =	simm.s32 $0xAC0;
	s12 =	rddreg [dreg:$0x9]  }
0x161: {  	[tilespmem:s0], [sflag:$0x1] =	stream.strided.gather [hbm4b:s12+s30], $0x180, s31, s30, $0x38;
	[tilespmem:$0x16440] =	vst v63  }
0x162: {  	s29 =	simm.s32 $0xC40;
	s11 =	rddreg [dreg:$0xa]  }
0x163: {  	[tilespmem:s29], [sflag:$0x1] =	stream.strided.gather [hbm4b:s11+s30], $0x180, s31, s30, $0x38;
	[tilespmem:$0x16440] =	vst v63  }
0x164: {  	s28 =	simm.s32 $0xDC0;
	s12 =	rddreg [dreg:$0xb]  }
0x165: {  	[tilespmem:s28], [sflag:$0x1] =	stream.strided.gather [hbm4b:s12+s30], $0x180, s31, s30, $0x38;
	[tilespmem:$0x16440] =	vst v63  }
0x166: {  	s26 =	simm.s32 $0xF40;
	s11 =	rddreg [dreg:$0xc]  }
0x167: {  	[tilespmem:s26], [sflag:$0x1] =	stream.strided.gather [hbm4b:s11+s30], $0x180, s31, s30, $0x38;
	[tilespmem:$0x16440] =	vst v63  }
0x168: {  	s25 =	simm.s32 $0x10C0;
	s12 =	rddreg [dreg:$0xd]  }
0x169: {  	[tilespmem:s25], [sflag:$0x1] =	stream.strided.gather [hbm4b:s12+s30], $0x180, s31, s30, $0x38;
	[tilespmem:$0x16440] =	vst v63  }
0x16a: {  	s24 =	simm.s32 $0x1240;
	s11 =	rddreg [dreg:$0xe]  }
0x16b: {  	[tilespmem:s24], [sflag:$0x1] =	stream.strided.gather [hbm4b:s11+s30], $0x180, s31, s30, $0x38;
	[tilespmem:$0x16440] =	vst v63  }
0x16c: {  	s23 =	simm.s32 $0x13C0;
	s12 =	rddreg [dreg:$0xf]  }
0x16d: {  	[tilespmem:s23], [sflag:$0x1] =	stream.strided.gather [hbm4b:s12+s30], $0x180, s31, s30, $0x38;
	[tilespmem:$0x16440] =	vst v63  }
0x16e: {  	s22 =	simm.s32 $0x1540;
	s11 =	rddreg [dreg:$0x10]  }
0x16f: {  	[tilespmem:s22], [sflag:$0x1] =	stream.strided.gather [hbm4b:s11+s30], $0x180, s31, s30, $0x38;
	[tilespmem:$0x16440] =	vst v63  }
0x170: {  	s21 =	simm.s32 $0x16C0;
	s12 =	rddreg [dreg:$0x11]  }
0x171: {  	[tilespmem:s21], [sflag:$0x1] =	stream.strided.gather [hbm4b:s12+s30], $0x180, s31, s30, $0x38;
	[tilespmem:$0x16440] =	vst v63  }
0x172: {  	s20 =	simm.s32 $0x1840;
	s11 =	rddreg [dreg:$0x12]  }
0x173: {  	[tilespmem:s20], [sflag:$0x1] =	stream.strided.gather [hbm4b:s11+s30], $0x180, s31, s30, $0x38;
	[tilespmem:$0x16440] =	vst v63  }
0x174: {  	s19 =	simm.s32 $0x19C0;
	s12 =	rddreg [dreg:$0x13]  }
0x175: {  	[tilespmem:s19], [sflag:$0x1] =	stream.strided.gather [hbm4b:s12+s30], $0x180, s31, s30, $0x38;
	[tilespmem:$0x16440] =	vst v63  }
0x176: {  	s18 =	simm.s32 $0x1B40;
	s11 =	rddreg [dreg:$0x14]  }
0x177: {  	[tilespmem:s18], [sflag:$0x1] =	stream.strided.gather [hbm4b:s11+s30], $0x180, s31, s30, $0x38;
	[tilespmem:$0x16440] =	vst v63  }
0x178: {  	s17 =	simm.s32 $0x1CC0;
	s12 =	rddreg [dreg:$0x15]  }
0x179: {  	[tilespmem:s17], [sflag:$0x1] =	stream.strided.gather [hbm4b:s12+s30], $0x180, s31, s30, $0x38;
	[tilespmem:$0x16440] =	vst v63  }
0x17a: {  	s16 =	simm.s32 $0x1E40;
	s11 =	rddreg [dreg:$0x16]  }
0x17b: {  	[tilespmem:s16], [sflag:$0x1] =	stream.strided.gather [hbm4b:s11+s30], $0x180, s31, s30, $0x38;
	[tilespmem:$0x16440] =	vst v63  }
0x17c: {  	s15 =	simm.s32 $0x1FC0;
	s12 =	rddreg [dreg:$0x17]  }
0x17d: {  	[tilespmem:s15], [sflag:$0x1] =	stream.strided.gather [hbm4b:s12+s30], $0x180, s31, s30, $0x38;
	[tilespmem:$0x16440] =	vst v63  }
0x17e: {  	s14 =	simm.s32 $0x2140;
	s11 =	rddreg [dreg:$0x18]  }
0x17f: {  	[tilespmem:s14], [sflag:$0x1] =	stream.strided.gather [hbm4b:s11+s30], $0x180, s31, s30, $0x38;
	[tilespmem:$0x16440] =	vst v63  }
0x180: {  	s13 =	simm.s32 $0x22C0;
	s12 =	rddreg [dreg:$0x19]  }
0x181: {  	[tilespmem:s13], [sflag:$0x1] =	stream.strided.gather [hbm4b:s12+s30], $0x180, s31, s30, $0x38;
	[tilespmem:$0x16440] =	vst v63  }
0x182: {  	[bflag:$0x0] =	sbarrier.arrive $0xFFFF  }
0x183: {  	_ =	swait.ge [sflag:s8], $0x180  }
0x184: {  	[sflag:s8] =	ssyncset.done $0x0  }
0x185: {  	[sflag:s8] =	ssyncadd.s32 $0xFFFFFE80  }
0x186: {  	s11 =	rddreg [dreg:$0x3]  }
0x187: {  	[tilespmem:s7], [sflag:$0x2] =	stream.indirect.gather [spmem:s11], $0x80, s2, s9, $0xb8;
	[tilespmem:$0x16440] =	vst v63  }
0x188: {  	s2 =	rddreg [dreg:$0x3];
	_ =	swait.ge [sflag:s8], $0x180  }
0x189: {  	[sflag:s8] =	ssyncset.done $0x0  }
0x18a: {  	s6 =	simm.s32 $0x7C0;
	[sflag:s8] =	ssyncadd.s32 $0xFFFFFE80  }
0x18b: {  	[tilespmem:s4], [sflag:$0x2] =	stream.indirect.gather [spmem:s2], $0x80, s6, s9, $0xb8;
	[tilespmem:$0x16440] =	vst v63  }
0x18c: {  	_ =	swait.ge [sflag:s5], $0xA000  }
0x18d: {  	[sflag:s5] =	ssyncset.done $0x0  }
0x18e: {  	s1 =	simm.s32 $0x0;
	s6 =	rddreg [dreg:$0x1a];
	[sflag:s5] =	ssyncadd.s32 $0xFFFF6000  }
0x18f: {  	[hbm4b:s6+s1] =	stream.linear.scatter [tilespmem:s7], [sflag:$0x3], $0xA000, $0x38;
	[tilespmem:$0x16440] =	vst v63  }
0x190: {  	_ =	swait.ge [sflag:s3], $0xA000  }
0x191: {  	[sflag:s3] =	ssyncset.done $0x0  }
0x192: {  	[sflag:s3] =	ssyncadd.s32 $0xFFFF6000  }
0x193: {  	_ =	swait.ge [sflag:s8], $0x180  }
0x194: {  	[sflag:s8] =	ssyncset.done $0x0  }
0x195: {  	s0 =	simm.s32 $0x940;
	[sflag:s8] =	ssyncadd.s32 $0xFFFFFE80  }
0x196: {  	[tilespmem:s7], [sflag:$0x2] =	stream.indirect.gather [spmem:s2], $0x80, s0, s9, $0xb8;
	[tilespmem:$0x16440] =	vst v63  }
0x197: {  	_ =	swait.ge [sflag:s5], $0xA000  }
0x198: {  	[sflag:s5] =	ssyncset.done $0x0  }
0x199: {  	s6 =	rddreg [dreg:$0x1b];
	[sflag:s5] =	ssyncadd.s32 $0xFFFF6000  }
0x19a: {  	[hbm4b:s6+s1] =	stream.linear.scatter [tilespmem:s4], [sflag:$0x3], $0xA000, $0x38;
	[tilespmem:$0x16440] =	vst v63  }
0x19b: {  	_ =	swait.ge [sflag:s3], $0xA000  }
0x19c: {  	[sflag:s3] =	ssyncset.done $0x0  }
0x19d: {  	[sflag:s3] =	ssyncadd.s32 $0xFFFF6000  }
0x19e: {  	_ =	swait.ge [sflag:s8], $0x180  }
0x19f: {  	[sflag:s8] =	ssyncset.done $0x0  }
0x1a0: {  	s29 =	simm.s32 $0xAC0;
	[sflag:s8] =	ssyncadd.s32 $0xFFFFFE80  }
0x1a1: {  	[tilespmem:s4], [sflag:$0x2] =	stream.indirect.gather [spmem:s2], $0x80, s29, s9, $0xb8;
	[tilespmem:$0x16440] =	vst v63  }
0x1a2: {  	_ =	swait.ge [sflag:s5], $0xA000  }
0x1a3: {  	[sflag:s5] =	ssyncset.done $0x0  }
0x1a4: {  	s0 =	rddreg [dreg:$0x1c];
	[sflag:s5] =	ssyncadd.s32 $0xFFFF6000  }
0x1a5: {  	[hbm4b:s0+s1] =	stream.linear.scatter [tilespmem:s7], [sflag:$0x3], $0xA000, $0x38;
	[tilespmem:$0x16440] =	vst v63  }
0x1a6: {  	_ =	swait.ge [sflag:s3], $0xA000  }
0x1a7: {  	[sflag:s3] =	ssyncset.done $0x0  }
0x1a8: {  	[sflag:s3] =	ssyncadd.s32 $0xFFFF6000  }
0x1a9: {  	_ =	swait.ge [sflag:s8], $0x180  }
0x1aa: {  	[sflag:s8] =	ssyncset.done $0x0  }
0x1ab: {  	s28 =	simm.s32 $0xC40;
	[sflag:s8] =	ssyncadd.s32 $0xFFFFFE80  }
0x1ac: {  	[tilespmem:s7], [sflag:$0x2] =	stream.indirect.gather [spmem:s2], $0x80, s28, s9, $0xb8;
	[tilespmem:$0x16440] =	vst v63  }
0x1ad: {  	_ =	swait.ge [sflag:s5], $0xA000  }
0x1ae: {  	[sflag:s5] =	ssyncset.done $0x0  }
0x1af: {  	s6 =	rddreg [dreg:$0x1d];
	[sflag:s5] =	ssyncadd.s32 $0xFFFF6000  }
0x1b0: {  	[hbm4b:s6+s1] =	stream.linear.scatter [tilespmem:s4], [sflag:$0x3], $0xA000, $0x38;
	[tilespmem:$0x16440] =	vst v63  }
0x1b1: {  	_ =	swait.ge [sflag:s3], $0xA000  }
0x1b2: {  	[sflag:s3] =	ssyncset.done $0x0  }
0x1b3: {  	[sflag:s3] =	ssyncadd.s32 $0xFFFF6000  }
0x1b4: {  	_ =	swait.ge [sflag:s8], $0x180  }
0x1b5: {  	[sflag:s8] =	ssyncset.done $0x0  }
0x1b6: {  	s26 =	simm.s32 $0xDC0;
	[sflag:s8] =	ssyncadd.s32 $0xFFFFFE80  }
0x1b7: {  	[tilespmem:s4], [sflag:$0x2] =	stream.indirect.gather [spmem:s2], $0x80, s26, s9, $0xb8;
	[tilespmem:$0x16440] =	vst v63  }
0x1b8: {  	_ =	swait.ge [sflag:s5], $0xA000  }
0x1b9: {  	[sflag:s5] =	ssyncset.done $0x0  }
0x1ba: {  	s0 =	rddreg [dreg:$0x1e];
	[sflag:s5] =	ssyncadd.s32 $0xFFFF6000  }
0x1bb: {  	[hbm4b:s0+s1] =	stream.linear.scatter [tilespmem:s7], [sflag:$0x3], $0xA000, $0x38;
	[tilespmem:$0x16440] =	vst v63  }
0x1bc: {  	_ =	swait.ge [sflag:s3], $0xA000  }
0x1bd: {  	[sflag:s3] =	ssyncset.done $0x0  }
0x1be: {  	[sflag:s3] =	ssyncadd.s32 $0xFFFF6000  }
0x1bf: {  	_ =	swait.ge [sflag:s8], $0x180  }
0x1c0: {  	[sflag:s8] =	ssyncset.done $0x0  }
0x1c1: {  	s25 =	simm.s32 $0xF40;
	[sflag:s8] =	ssyncadd.s32 $0xFFFFFE80  }
0x1c2: {  	[tilespmem:s7], [sflag:$0x2] =	stream.indirect.gather [spmem:s2], $0x80, s25, s9, $0xb8;
	[tilespmem:$0x16440] =	vst v63  }
0x1c3: {  	_ =	swait.ge [sflag:s5], $0xA000  }
0x1c4: {  	[sflag:s5] =	ssyncset.done $0x0  }
0x1c5: {  	s6 =	rddreg [dreg:$0x1f];
	[sflag:s5] =	ssyncadd.s32 $0xFFFF6000  }
0x1c6: {  	[hbm4b:s6+s1] =	stream.linear.scatter [tilespmem:s4], [sflag:$0x3], $0xA000, $0x38;
	[tilespmem:$0x16440] =	vst v63  }
0x1c7: {  	_ =	swait.ge [sflag:s3], $0xA000  }
0x1c8: {  	[sflag:s3] =	ssyncset.done $0x0  }
0x1c9: {  	[sflag:s3] =	ssyncadd.s32 $0xFFFF6000  }
0x1ca: {  	_ =	swait.ge [sflag:s8], $0x180  }
0x1cb: {  	[sflag:s8] =	ssyncset.done $0x0  }
0x1cc: {  	s24 =	simm.s32 $0x10C0;
	[sflag:s8] =	ssyncadd.s32 $0xFFFFFE80  }
0x1cd: {  	[tilespmem:s4], [sflag:$0x2] =	stream.indirect.gather [spmem:s2], $0x80, s24, s9, $0xb8;
	[tilespmem:$0x16440] =	vst v63  }
0x1ce: {  	_ =	swait.ge [sflag:s5], $0xA000  }
0x1cf: {  	s0 =	sld [smem:$0x7F0]  }
0x1d0: {  	[sflag:s5] =	ssyncset.done $0x0  }
0x1d1: {  	[sflag:s5] =	ssyncadd.s32 $0xFFFF6000  }
0x1d2: {  	[hbm4b:s0+s1] =	stream.linear.scatter [tilespmem:s7], [sflag:$0x3], $0xA000, $0x38;
	[tilespmem:$0x16440] =	vst v63  }
0x1d3: {  	_ =	swait.ge [sflag:s3], $0xA000  }
0x1d4: {  	[sflag:s3] =	ssyncset.done $0x0  }
0x1d5: {  	[sflag:s3] =	ssyncadd.s32 $0xFFFF6000  }
0x1d6: {  	_ =	swait.ge [sflag:s8], $0x180  }
0x1d7: {  	[sflag:s8] =	ssyncset.done $0x0  }
0x1d8: {  	s23 =	simm.s32 $0x1240;
	[sflag:s8] =	ssyncadd.s32 $0xFFFFFE80  }
0x1d9: {  	[tilespmem:s7], [sflag:$0x2] =	stream.indirect.gather [spmem:s2], $0x80, s23, s9, $0xb8;
	[tilespmem:$0x16440] =	vst v63  }
0x1da: {  	_ =	swait.ge [sflag:s5], $0xA000  }
0x1db: {  	s6 =	sld [smem:$0x7F1]  }
0x1dc: {  	[sflag:s5] =	ssyncset.done $0x0  }
0x1dd: {  	[sflag:s5] =	ssyncadd.s32 $0xFFFF6000  }
0x1de: {  	[hbm4b:s6+s1] =	stream.linear.scatter [tilespmem:s4], [sflag:$0x3], $0xA000, $0x38;
	[tilespmem:$0x16440] =	vst v63  }
0x1df: {  	_ =	swait.ge [sflag:s3], $0xA000  }
0x1e0: {  	[sflag:s3] =	ssyncset.done $0x0  }
0x1e1: {  	[sflag:s3] =	ssyncadd.s32 $0xFFFF6000  }
0x1e2: {  	_ =	swait.ge [sflag:s8], $0x180  }
0x1e3: {  	[sflag:s8] =	ssyncset.done $0x0  }
0x1e4: {  	s22 =	simm.s32 $0x13C0;
	[sflag:s8] =	ssyncadd.s32 $0xFFFFFE80  }
0x1e5: {  	[tilespmem:s4], [sflag:$0x2] =	stream.indirect.gather [spmem:s2], $0x80, s22, s9, $0xb8;
	[tilespmem:$0x16440] =	vst v63  }
0x1e6: {  	_ =	swait.ge [sflag:s5], $0xA000  }
0x1e7: {  	s0 =	sld [smem:$0x7F2]  }
0x1e8: {  	[sflag:s5] =	ssyncset.done $0x0  }
0x1e9: {  	[sflag:s5] =	ssyncadd.s32 $0xFFFF6000  }
0x1ea: {  	[hbm4b:s0+s1] =	stream.linear.scatter [tilespmem:s7], [sflag:$0x3], $0xA000, $0x38;
	[tilespmem:$0x16440] =	vst v63  }
0x1eb: {  	_ =	swait.ge [sflag:s3], $0xA000  }
0x1ec: {  	[sflag:s3] =	ssyncset.done $0x0  }
0x1ed: {  	[sflag:s3] =	ssyncadd.s32 $0xFFFF6000  }
0x1ee: {  	_ =	swait.ge [sflag:s8], $0x180  }
0x1ef: {  	[sflag:s8] =	ssyncset.done $0x0  }
0x1f0: {  	s21 =	simm.s32 $0x1540;
	[sflag:s8] =	ssyncadd.s32 $0xFFFFFE80  }
0x1f1: {  	[tilespmem:s7], [sflag:$0x2] =	stream.indirect.gather [spmem:s2], $0x80, s21, s9, $0xb8;
	[tilespmem:$0x16440] =	vst v63  }
0x1f2: {  	_ =	swait.ge [sflag:s5], $0xA000  }
0x1f3: {  	s6 =	sld [smem:$0x7F3]  }
0x1f4: {  	[sflag:s5] =	ssyncset.done $0x0  }
0x1f5: {  	[sflag:s5] =	ssyncadd.s32 $0xFFFF6000  }
0x1f6: {  	[hbm4b:s6+s1] =	stream.linear.scatter [tilespmem:s4], [sflag:$0x3], $0xA000, $0x38;
	[tilespmem:$0x16440] =	vst v63  }
0x1f7: {  	_ =	swait.ge [sflag:s3], $0xA000  }
0x1f8: {  	[sflag:s3] =	ssyncset.done $0x0  }
0x1f9: {  	[sflag:s3] =	ssyncadd.s32 $0xFFFF6000  }
0x1fa: {  	_ =	swait.ge [sflag:s8], $0x180  }
0x1fb: {  	[sflag:s8] =	ssyncset.done $0x0  }
0x1fc: {  	s20 =	simm.s32 $0x16C0;
	[sflag:s8] =	ssyncadd.s32 $0xFFFFFE80  }
0x1fd: {  	[tilespmem:s4], [sflag:$0x2] =	stream.indirect.gather [spmem:s2], $0x80, s20, s9, $0xb8;
	[tilespmem:$0x16440] =	vst v63  }
0x1fe: {  	_ =	swait.ge [sflag:s5], $0xA000  }
0x1ff: {  	s0 =	sld [smem:$0x7F4]  }
0x200: {  	[sflag:s5] =	ssyncset.done $0x0  }
0x201: {  	[sflag:s5] =	ssyncadd.s32 $0xFFFF6000  }
0x202: {  	[hbm4b:s0+s1] =	stream.linear.scatter [tilespmem:s7], [sflag:$0x3], $0xA000, $0x38;
	[tilespmem:$0x16440] =	vst v63  }
0x203: {  	_ =	swait.ge [sflag:s3], $0xA000  }
0x204: {  	[sflag:s3] =	ssyncset.done $0x0  }
0x205: {  	[sflag:s3] =	ssyncadd.s32 $0xFFFF6000  }
0x206: {  	_ =	swait.ge [sflag:s8], $0x180  }
0x207: {  	[sflag:s8] =	ssyncset.done $0x0  }
0x208: {  	s19 =	simm.s32 $0x1840;
	[sflag:s8] =	ssyncadd.s32 $0xFFFFFE80  }
0x209: {  	[tilespmem:s7], [sflag:$0x2] =	stream.indirect.gather [spmem:s2], $0x80, s19, s9, $0xb8;
	[tilespmem:$0x16440] =	vst v63  }
0x20a: {  	_ =	swait.ge [sflag:s5], $0xA000  }
0x20b: {  	s6 =	sld [smem:$0x7F5]  }
0x20c: {  	[sflag:s5] =	ssyncset.done $0x0  }
0x20d: {  	[sflag:s5] =	ssyncadd.s32 $0xFFFF6000  }
0x20e: {  	[hbm4b:s6+s1] =	stream.linear.scatter [tilespmem:s4], [sflag:$0x3], $0xA000, $0x38;
	[tilespmem:$0x16440] =	vst v63  }
0x20f: {  	_ =	swait.ge [sflag:s3], $0xA000  }
0x210: {  	[sflag:s3] =	ssyncset.done $0x0  }
0x211: {  	[sflag:s3] =	ssyncadd.s32 $0xFFFF6000  }
0x212: {  	_ =	swait.ge [sflag:s8], $0x180  }
0x213: {  	[sflag:s8] =	ssyncset.done $0x0  }
0x214: {  	s18 =	simm.s32 $0x19C0;
	[sflag:s8] =	ssyncadd.s32 $0xFFFFFE80  }
0x215: {  	[tilespmem:s4], [sflag:$0x2] =	stream.indirect.gather [spmem:s2], $0x80, s18, s9, $0xb8;
	[tilespmem:$0x16440] =	vst v63  }
0x216: {  	_ =	swait.ge [sflag:s5], $0xA000  }
0x217: {  	s0 =	sld [smem:$0x7F6]  }
0x218: {  	[sflag:s5] =	ssyncset.done $0x0  }
0x219: {  	[sflag:s5] =	ssyncadd.s32 $0xFFFF6000  }
0x21a: {  	[hbm4b:s0+s1] =	stream.linear.scatter [tilespmem:s7], [sflag:$0x3], $0xA000, $0x38;
	[tilespmem:$0x16440] =	vst v63  }
0x21b: {  	_ =	swait.ge [sflag:s3], $0xA000  }
0x21c: {  	[sflag:s3] =	ssyncset.done $0x0  }
0x21d: {  	[sflag:s3] =	ssyncadd.s32 $0xFFFF6000  }
0x21e: {  	_ =	swait.ge [sflag:s8], $0x180  }
0x21f: {  	[sflag:s8] =	ssyncset.done $0x0  }
0x220: {  	s17 =	simm.s32 $0x1B40;
	[sflag:s8] =	ssyncadd.s32 $0xFFFFFE80  }
0x221: {  	[tilespmem:s7], [sflag:$0x2] =	stream.indirect.gather [spmem:s2], $0x80, s17, s9, $0xb8;
	[tilespmem:$0x16440] =	vst v63  }
0x222: {  	_ =	swait.ge [sflag:s5], $0xA000  }
0x223: {  	s6 =	sld [smem:$0x7F7]  }
0x224: {  	[sflag:s5] =	ssyncset.done $0x0  }
0x225: {  	[sflag:s5] =	ssyncadd.s32 $0xFFFF6000  }
0x226: {  	[hbm4b:s6+s1] =	stream.linear.scatter [tilespmem:s4], [sflag:$0x3], $0xA000, $0x38;
	[tilespmem:$0x16440] =	vst v63  }
0x227: {  	_ =	swait.ge [sflag:s3], $0xA000  }
0x228: {  	[sflag:s3] =	ssyncset.done $0x0  }
0x229: {  	[sflag:s3] =	ssyncadd.s32 $0xFFFF6000  }
0x22a: {  	_ =	swait.ge [sflag:s8], $0x180  }
0x22b: {  	[sflag:s8] =	ssyncset.done $0x0  }
0x22c: {  	s16 =	simm.s32 $0x1CC0;
	[sflag:s8] =	ssyncadd.s32 $0xFFFFFE80  }
0x22d: {  	[tilespmem:s4], [sflag:$0x2] =	stream.indirect.gather [spmem:s2], $0x80, s16, s9, $0xb8;
	[tilespmem:$0x16440] =	vst v63  }
0x22e: {  	_ =	swait.ge [sflag:s5], $0xA000  }
0x22f: {  	s0 =	sld [smem:$0x7F8]  }
0x230: {  	[sflag:s5] =	ssyncset.done $0x0  }
0x231: {  	[sflag:s5] =	ssyncadd.s32 $0xFFFF6000  }
0x232: {  	[hbm4b:s0+s1] =	stream.linear.scatter [tilespmem:s7], [sflag:$0x3], $0xA000, $0x38;
	[tilespmem:$0x16440] =	vst v63  }
0x233: {  	_ =	swait.ge [sflag:s3], $0xA000  }
0x234: {  	[sflag:s3] =	ssyncset.done $0x0  }
0x235: {  	[sflag:s3] =	ssyncadd.s32 $0xFFFF6000  }
0x236: {  	_ =	swait.ge [sflag:s8], $0x180  }
0x237: {  	[sflag:s8] =	ssyncset.done $0x0  }
0x238: {  	s15 =	simm.s32 $0x1E40;
	[sflag:s8] =	ssyncadd.s32 $0xFFFFFE80  }
0x239: {  	[tilespmem:s7], [sflag:$0x2] =	stream.indirect.gather [spmem:s2], $0x80, s15, s9, $0xb8;
	[tilespmem:$0x16440] =	vst v63  }
0x23a: {  	_ =	swait.ge [sflag:s5], $0xA000  }
0x23b: {  	s6 =	sld [smem:$0x7F9]  }
0x23c: {  	[sflag:s5] =	ssyncset.done $0x0  }
0x23d: {  	[sflag:s5] =	ssyncadd.s32 $0xFFFF6000  }
0x23e: {  	[hbm4b:s6+s1] =	stream.linear.scatter [tilespmem:s4], [sflag:$0x3], $0xA000, $0x38;
	[tilespmem:$0x16440] =	vst v63  }
0x23f: {  	_ =	swait.ge [sflag:s3], $0xA000  }
0x240: {  	[sflag:s3] =	ssyncset.done $0x0  }
0x241: {  	[sflag:s3] =	ssyncadd.s32 $0xFFFF6000  }
0x242: {  	_ =	swait.ge [sflag:s8], $0x180  }
0x243: {  	[sflag:s8] =	ssyncset.done $0x0  }
0x244: {  	s14 =	simm.s32 $0x1FC0;
	[sflag:s8] =	ssyncadd.s32 $0xFFFFFE80  }
0x245: {  	[tilespmem:s4], [sflag:$0x2] =	stream.indirect.gather [spmem:s2], $0x80, s14, s9, $0xb8;
	[tilespmem:$0x16440] =	vst v63  }
0x246: {  	_ =	swait.ge [sflag:s5], $0xA000  }
0x247: {  	s0 =	sld [smem:$0x7FA]  }
0x248: {  	[sflag:s5] =	ssyncset.done $0x0  }
0x249: {  	[sflag:s5] =	ssyncadd.s32 $0xFFFF6000  }
0x24a: {  	[hbm4b:s0+s1] =	stream.linear.scatter [tilespmem:s7], [sflag:$0x3], $0xA000, $0x38;
	[tilespmem:$0x16440] =	vst v63  }
0x24b: {  	_ =	swait.ge [sflag:s3], $0xA000  }
0x24c: {  	[sflag:s3] =	ssyncset.done $0x0  }
0x24d: {  	[sflag:s3] =	ssyncadd.s32 $0xFFFF6000  }
0x24e: {  	_ =	swait.ge [sflag:s8], $0x180  }
0x24f: {  	[sflag:s8] =	ssyncset.done $0x0  }
0x250: {  	s13 =	simm.s32 $0x2140;
	[sflag:s8] =	ssyncadd.s32 $0xFFFFFE80  }
0x251: {  	[tilespmem:s7], [sflag:$0x2] =	stream.indirect.gather [spmem:s2], $0x80, s13, s9, $0xb8;
	[tilespmem:$0x16440] =	vst v63  }
0x252: {  	_ =	swait.ge [sflag:s5], $0xA000  }
0x253: {  	s6 =	sld [smem:$0x7FB]  }
0x254: {  	[sflag:s5] =	ssyncset.done $0x0  }
0x255: {  	[sflag:s5] =	ssyncadd.s32 $0xFFFF6000  }
0x256: {  	[hbm4b:s6+s1] =	stream.linear.scatter [tilespmem:s4], [sflag:$0x3], $0xA000, $0x38;
	[tilespmem:$0x16440] =	vst v63  }
0x257: {  	_ =	swait.ge [sflag:s3], $0xA000  }
0x258: {  	[sflag:s3] =	ssyncset.done $0x0  }
0x259: {  	[sflag:s3] =	ssyncadd.s32 $0xFFFF6000  }
0x25a: {  	_ =	swait.ge [sflag:s8], $0x180  }
0x25b: {  	[sflag:s8] =	ssyncset.done $0x0  }
0x25c: {  	s12 =	simm.s32 $0x22C0;
	[sflag:s8] =	ssyncadd.s32 $0xFFFFFE80  }
0x25d: {  	[tilespmem:s4], [sflag:$0x2] =	stream.indirect.gather [spmem:s2], $0x80, s12, s9, $0xb8;
	[tilespmem:$0x16440] =	vst v63  }
0x25e: {  	_ =	swait.ge [sflag:s5], $0xA000  }
0x25f: {  	s0 =	sld [smem:$0x7FC]  }
0x260: {  	[sflag:s5] =	ssyncset.done $0x0  }
0x261: {  	[sflag:s5] =	ssyncadd.s32 $0xFFFF6000  }
0x262: {  	[hbm4b:s0+s1] =	stream.linear.scatter [tilespmem:s7], [sflag:$0x3], $0xA000, $0x38;
	[tilespmem:$0x16440] =	vst v63  }
0x263: {  	_ =	swait.ge [sflag:s5], $0xA000  }
0x264: {  	s6 =	sld [smem:$0x7FD]  }
0x265: {  	s10 =	sadd.s32 $0xFFFFFFFF, s10;
	[sflag:s5] =	ssyncset.done $0x0  }
0x266: {  	p2 =	sne.s32 s10, $0x0;
	[sflag:s5] =	ssyncadd.s32 $0xFFFF6000  }
0x267: {  	[hbm4b:s6+s1] =	stream.linear.scatter [tilespmem:s4], [sflag:$0x3], $0xA000, $0x38;
	[tilespmem:$0x16440] =	vst v63  }
.Ltmp2:
0x268: {  	_ =	swait.ge [sflag:s3], $0xA000;
	(pc) =	sbr.rel @p2 .LBB2_3-.Ltmp2, $4  }
0x269: {  	[sflag:s3] =	ssyncset.done $0x0  }
0x26a: {  	[sflag:s3] =	ssyncadd.s32 $0xFFFF6000  }
0x26b: {  	_ =	swait.ge [sflag:s3], $0xA000  }
0x26c: {  	s11 =	rddreg [dreg:$0x5];
	[sflag:s3] =	ssyncset.done $0x0  }
0x26d: {  	s10 =	sld [smem:$0x7EE]  }
.LBB2_5:
0x26e: {  	_ = 	snop  }
0x26f: {  	[sflag:s3] =	ssyncadd.s32 @p1 $0xFFFF6000;
	s6 =	simm.s32 @!p0 $0x1C04;
	s0 =	simm.s32 @!p0 $0x4  }
0x270: {  	[spmem:s10], [sflag:s6] =	dma.local @!p0 [hbm:s11], $0xC80  }
0x271: {  	_ =	swait.ge @!p0 [sflag:s0], $0xC80  }
0x272: {  	[sflag:s0] =	ssyncset.done @!p0 $0x0  }
0x273: {  	s10 =	simm.s32 $0x640;
	s1 =	rddreg [dreg:$0x6];
	[sflag:s0] =	ssyncadd.s32 @!p0 $0xFFFFF380  }
0x274: {  	[tilespmem:s10], [sflag:$0x1] =	stream.strided.gather [hbm4b:s1+s30], $0x180, s31, s30, $0x38;
	[tilespmem:$0x16440] =	vst v63  }
0x275: {  	s11 =	rddreg [dreg:$0x7];
	s1 =	simm.s32 $0x7C0  }
0x276: {  	[tilespmem:s1], [sflag:$0x1] =	stream.strided.gather [hbm4b:s11+s30], $0x180, s31, s30, $0x38;
	[tilespmem:$0x16440] =	vst v63  }
0x277: {  	s6 =	rddreg [dreg:$0x8];
	s11 =	simm.s32 $0x940  }
0x278: {  	[tilespmem:s11], [sflag:$0x1] =	stream.strided.gather [hbm4b:s6+s30], $0x180, s31, s30, $0x38;
	[tilespmem:$0x16440] =	vst v63  }
0x279: {  	s0 =	rddreg [dreg:$0x9]  }
0x27a: {  	[tilespmem:s29], [sflag:$0x1] =	stream.strided.gather [hbm4b:s0+s30], $0x180, s31, s30, $0x38;
	[tilespmem:$0x16440] =	vst v63  }
0x27b: {  	s6 =	rddreg [dreg:$0xa]  }
0x27c: {  	[tilespmem:s28], [sflag:$0x1] =	stream.strided.gather [hbm4b:s6+s30], $0x180, s31, s30, $0x38;
	[tilespmem:$0x16440] =	vst v63  }
0x27d: {  	s0 =	rddreg [dreg:$0xb]  }
0x27e: {  	[tilespmem:s26], [sflag:$0x1] =	stream.strided.gather [hbm4b:s0+s30], $0x180, s31, s30, $0x38;
	[tilespmem:$0x16440] =	vst v63  }
0x27f: {  	s6 =	rddreg [dreg:$0xc]  }
0x280: {  	[tilespmem:s25], [sflag:$0x1] =	stream.strided.gather [hbm4b:s6+s30], $0x180, s31, s30, $0x38;
	[tilespmem:$0x16440] =	vst v63  }
0x281: {  	s0 =	rddreg [dreg:$0xd]  }
0x282: {  	[tilespmem:s24], [sflag:$0x1] =	stream.strided.gather [hbm4b:s0+s30], $0x180, s31, s30, $0x38;
	[tilespmem:$0x16440] =	vst v63  }
0x283: {  	s6 =	rddreg [dreg:$0xe]  }
0x284: {  	[tilespmem:s23], [sflag:$0x1] =	stream.strided.gather [hbm4b:s6+s30], $0x180, s31, s30, $0x38;
	[tilespmem:$0x16440] =	vst v63  }
0x285: {  	s0 =	rddreg [dreg:$0xf]  }
0x286: {  	[tilespmem:s22], [sflag:$0x1] =	stream.strided.gather [hbm4b:s0+s30], $0x180, s31, s30, $0x38;
	[tilespmem:$0x16440] =	vst v63  }
0x287: {  	s6 =	rddreg [dreg:$0x10]  }
0x288: {  	[tilespmem:s21], [sflag:$0x1] =	stream.strided.gather [hbm4b:s6+s30], $0x180, s31, s30, $0x38;
	[tilespmem:$0x16440] =	vst v63  }
0x289: {  	s0 =	rddreg [dreg:$0x11]  }
0x28a: {  	[tilespmem:s20], [sflag:$0x1] =	stream.strided.gather [hbm4b:s0+s30], $0x180, s31, s30, $0x38;
	[tilespmem:$0x16440] =	vst v63  }
0x28b: {  	s6 =	rddreg [dreg:$0x12]  }
0x28c: {  	[tilespmem:s19], [sflag:$0x1] =	stream.strided.gather [hbm4b:s6+s30], $0x180, s31, s30, $0x38;
	[tilespmem:$0x16440] =	vst v63  }
0x28d: {  	s0 =	rddreg [dreg:$0x13]  }
0x28e: {  	[tilespmem:s18], [sflag:$0x1] =	stream.strided.gather [hbm4b:s0+s30], $0x180, s31, s30, $0x38;
	[tilespmem:$0x16440] =	vst v63  }
0x28f: {  	s6 =	rddreg [dreg:$0x14]  }
0x290: {  	[tilespmem:s17], [sflag:$0x1] =	stream.strided.gather [hbm4b:s6+s30], $0x180, s31, s30, $0x38;
	[tilespmem:$0x16440] =	vst v63  }
0x291: {  	s0 =	rddreg [dreg:$0x15]  }
0x292: {  	[tilespmem:s16], [sflag:$0x1] =	stream.strided.gather [hbm4b:s0+s30], $0x180, s31, s30, $0x38;
	[tilespmem:$0x16440] =	vst v63  }
0x293: {  	s6 =	rddreg [dreg:$0x16]  }
0x294: {  	[tilespmem:s15], [sflag:$0x1] =	stream.strided.gather [hbm4b:s6+s30], $0x180, s31, s30, $0x38;
	[tilespmem:$0x16440] =	vst v63  }
0x295: {  	s0 =	rddreg [dreg:$0x17]  }
0x296: {  	[tilespmem:s14], [sflag:$0x1] =	stream.strided.gather [hbm4b:s0+s30], $0x180, s31, s30, $0x38;
	[tilespmem:$0x16440] =	vst v63  }
0x297: {  	s6 =	rddreg [dreg:$0x18]  }
0x298: {  	[tilespmem:s13], [sflag:$0x1] =	stream.strided.gather [hbm4b:s6+s30], $0x180, s31, s30, $0x38;
	[tilespmem:$0x16440] =	vst v63  }
0x299: {  	s0 =	rddreg [dreg:$0x19]  }
0x29a: {  	[tilespmem:s12], [sflag:$0x1] =	stream.strided.gather [hbm4b:s0+s30], $0x180, s31, s30, $0x38;
	[tilespmem:$0x16440] =	vst v63  }
0x29b: {  	[bflag:$0x0] =	sbarrier.arrive $0xFFFF  }
0x29c: {  	_ =	swait.ge [sflag:s8], $0x180  }
0x29d: {  	[sflag:s8] =	ssyncset.done $0x0  }
0x29e: {  	[sflag:s8] =	ssyncadd.s32 $0xFFFFFE80  }
0x29f: {  	[tilespmem:s7], [sflag:$0x2] =	stream.indirect.gather [spmem:s2], $0x80, s10, s9, $0xb8;
	[tilespmem:$0x16440] =	vst v63  }
0x2a0: {  	_ =	swait.ge [sflag:s8], $0x180  }
0x2a1: {  	[sflag:s8] =	ssyncset.done $0x0  }
0x2a2: {  	[sflag:s8] =	ssyncadd.s32 $0xFFFFFE80  }
0x2a3: {  	[tilespmem:s4], [sflag:$0x2] =	stream.indirect.gather [spmem:s2], $0x80, s1, s9, $0xb8;
	[tilespmem:$0x16440] =	vst v63  }
0x2a4: {  	_ =	swait.ge [sflag:s5], $0xA000  }
0x2a5: {  	[sflag:s5] =	ssyncset.done $0x0  }
0x2a6: {  	s1 =	simm.s32 $0x0;
	s6 =	rddreg [dreg:$0x1a];
	[sflag:s5] =	ssyncadd.s32 $0xFFFF6000  }
0x2a7: {  	[hbm4b:s6+s1] =	stream.linear.scatter [tilespmem:s7], [sflag:$0x3], $0xA000, $0x38;
	[tilespmem:$0x16440] =	vst v63  }
0x2a8: {  	_ =	swait.ge [sflag:s3], $0xA000  }
0x2a9: {  	[sflag:s3] =	ssyncset.done $0x0  }
0x2aa: {  	[sflag:s3] =	ssyncadd.s32 $0xFFFF6000  }
0x2ab: {  	_ =	swait.ge [sflag:s8], $0x180  }
0x2ac: {  	[sflag:s8] =	ssyncset.done $0x0  }
0x2ad: {  	[sflag:s8] =	ssyncadd.s32 $0xFFFFFE80  }
0x2ae: {  	[tilespmem:s7], [sflag:$0x2] =	stream.indirect.gather [spmem:s2], $0x80, s11, s9, $0xb8;
	[tilespmem:$0x16440] =	vst v63  }
0x2af: {  	_ =	swait.ge [sflag:s5], $0xA000  }
0x2b0: {  	[sflag:s5] =	ssyncset.done $0x0  }
0x2b1: {  	s10 =	rddreg [dreg:$0x1b];
	[sflag:s5] =	ssyncadd.s32 $0xFFFF6000  }
0x2b2: {  	[hbm4b:s10+s1] =	stream.linear.scatter [tilespmem:s4], [sflag:$0x3], $0xA000, $0x38;
	[tilespmem:$0x16440] =	vst v63  }
0x2b3: {  	_ =	swait.ge [sflag:s3], $0xA000  }
0x2b4: {  	[sflag:s3] =	ssyncset.done $0x0  }
0x2b5: {  	[sflag:s3] =	ssyncadd.s32 $0xFFFF6000  }
0x2b6: {  	_ =	swait.ge [sflag:s8], $0x180  }
0x2b7: {  	[sflag:s8] =	ssyncset.done $0x0  }
0x2b8: {  	[sflag:s8] =	ssyncadd.s32 $0xFFFFFE80  }
0x2b9: {  	[tilespmem:s4], [sflag:$0x2] =	stream.indirect.gather [spmem:s2], $0x80, s29, s9, $0xb8;
	[tilespmem:$0x16440] =	vst v63  }
0x2ba: {  	_ =	swait.ge [sflag:s5], $0xA000  }
0x2bb: {  	[sflag:s5] =	ssyncset.done $0x0  }
0x2bc: {  	s11 =	rddreg [dreg:$0x1c];
	[sflag:s5] =	ssyncadd.s32 $0xFFFF6000  }
0x2bd: {  	[hbm4b:s11+s1] =	stream.linear.scatter [tilespmem:s7], [sflag:$0x3], $0xA000, $0x38;
	[tilespmem:$0x16440] =	vst v63  }
0x2be: {  	_ =	swait.ge [sflag:s3], $0xA000  }
0x2bf: {  	[sflag:s3] =	ssyncset.done $0x0  }
0x2c0: {  	[sflag:s3] =	ssyncadd.s32 $0xFFFF6000  }
0x2c1: {  	_ =	swait.ge [sflag:s8], $0x180  }
0x2c2: {  	[sflag:s8] =	ssyncset.done $0x0  }
0x2c3: {  	[sflag:s8] =	ssyncadd.s32 $0xFFFFFE80  }
0x2c4: {  	[tilespmem:s7], [sflag:$0x2] =	stream.indirect.gather [spmem:s2], $0x80, s28, s9, $0xb8;
	[tilespmem:$0x16440] =	vst v63  }
0x2c5: {  	_ =	swait.ge [sflag:s5], $0xA000  }
0x2c6: {  	[sflag:s5] =	ssyncset.done $0x0  }
0x2c7: {  	s28 =	rddreg [dreg:$0x1d];
	[sflag:s5] =	ssyncadd.s32 $0xFFFF6000  }
0x2c8: {  	[hbm4b:s28+s1] =	stream.linear.scatter [tilespmem:s4], [sflag:$0x3], $0xA000, $0x38;
	[tilespmem:$0x16440] =	vst v63  }
0x2c9: {  	_ =	swait.ge [sflag:s3], $0xA000  }
0x2ca: {  	[sflag:s3] =	ssyncset.done $0x0  }
0x2cb: {  	[sflag:s3] =	ssyncadd.s32 $0xFFFF6000  }
0x2cc: {  	_ =	swait.ge [sflag:s8], $0x180  }
0x2cd: {  	[sflag:s8] =	ssyncset.done $0x0  }
0x2ce: {  	[sflag:s8] =	ssyncadd.s32 $0xFFFFFE80  }
0x2cf: {  	[tilespmem:s4], [sflag:$0x2] =	stream.indirect.gather [spmem:s2], $0x80, s26, s9, $0xb8;
	[tilespmem:$0x16440] =	vst v63  }
0x2d0: {  	_ =	swait.ge [sflag:s5], $0xA000  }
0x2d1: {  	[sflag:s5] =	ssyncset.done $0x0  }
0x2d2: {  	s29 =	rddreg [dreg:$0x1e];
	[sflag:s5] =	ssyncadd.s32 $0xFFFF6000  }
0x2d3: {  	[hbm4b:s29+s1] =	stream.linear.scatter [tilespmem:s7], [sflag:$0x3], $0xA000, $0x38;
	[tilespmem:$0x16440] =	vst v63  }
0x2d4: {  	_ =	swait.ge [sflag:s3], $0xA000  }
0x2d5: {  	[sflag:s3] =	ssyncset.done $0x0  }
0x2d6: {  	[sflag:s3] =	ssyncadd.s32 $0xFFFF6000  }
0x2d7: {  	_ =	swait.ge [sflag:s8], $0x180  }
0x2d8: {  	[sflag:s8] =	ssyncset.done $0x0  }
0x2d9: {  	[sflag:s8] =	ssyncadd.s32 $0xFFFFFE80  }
0x2da: {  	[tilespmem:s7], [sflag:$0x2] =	stream.indirect.gather [spmem:s2], $0x80, s25, s9, $0xb8;
	[tilespmem:$0x16440] =	vst v63  }
0x2db: {  	_ =	swait.ge [sflag:s5], $0xA000  }
0x2dc: {  	[sflag:s5] =	ssyncset.done $0x0  }
0x2dd: {  	s30 =	rddreg [dreg:$0x1f];
	[sflag:s5] =	ssyncadd.s32 $0xFFFF6000  }
0x2de: {  	[hbm4b:s30+s1] =	stream.linear.scatter [tilespmem:s4], [sflag:$0x3], $0xA000, $0x38;
	[tilespmem:$0x16440] =	vst v63  }
0x2df: {  	_ =	swait.ge [sflag:s3], $0xA000  }
0x2e0: {  	[sflag:s3] =	ssyncset.done $0x0  }
0x2e1: {  	[sflag:s3] =	ssyncadd.s32 $0xFFFF6000  }
0x2e2: {  	_ =	swait.ge [sflag:s8], $0x180  }
0x2e3: {  	[sflag:s8] =	ssyncset.done $0x0  }
0x2e4: {  	[sflag:s8] =	ssyncadd.s32 $0xFFFFFE80  }
0x2e5: {  	[tilespmem:s4], [sflag:$0x2] =	stream.indirect.gather [spmem:s2], $0x80, s24, s9, $0xb8;
	[tilespmem:$0x16440] =	vst v63  }
0x2e6: {  	_ =	swait.ge [sflag:s5], $0xA000  }
0x2e7: {  	s31 =	sld [smem:$0x7F0]  }
0x2e8: {  	[sflag:s5] =	ssyncset.done $0x0  }
0x2e9: {  	[sflag:s5] =	ssyncadd.s32 $0xFFFF6000  }
0x2ea: {  	[hbm4b:s31+s1] =	stream.linear.scatter [tilespmem:s7], [sflag:$0x3], $0xA000, $0x38;
	[tilespmem:$0x16440] =	vst v63  }
0x2eb: {  	_ =	swait.ge [sflag:s3], $0xA000  }
0x2ec: {  	[sflag:s3] =	ssyncset.done $0x0  }
0x2ed: {  	[sflag:s3] =	ssyncadd.s32 $0xFFFF6000  }
0x2ee: {  	_ =	swait.ge [sflag:s8], $0x180  }
0x2ef: {  	[sflag:s8] =	ssyncset.done $0x0  }
0x2f0: {  	[sflag:s8] =	ssyncadd.s32 $0xFFFFFE80  }
0x2f1: {  	[tilespmem:s7], [sflag:$0x2] =	stream.indirect.gather [spmem:s2], $0x80, s23, s9, $0xb8;
	[tilespmem:$0x16440] =	vst v63  }
0x2f2: {  	_ =	swait.ge [sflag:s5], $0xA000  }
0x2f3: {  	s6 =	sld [smem:$0x7F1]  }
0x2f4: {  	[sflag:s5] =	ssyncset.done $0x0  }
0x2f5: {  	[sflag:s5] =	ssyncadd.s32 $0xFFFF6000  }
0x2f6: {  	[hbm4b:s6+s1] =	stream.linear.scatter [tilespmem:s4], [sflag:$0x3], $0xA000, $0x38;
	[tilespmem:$0x16440] =	vst v63  }
0x2f7: {  	_ =	swait.ge [sflag:s3], $0xA000  }
0x2f8: {  	[sflag:s3] =	ssyncset.done $0x0  }
0x2f9: {  	[sflag:s3] =	ssyncadd.s32 $0xFFFF6000  }
0x2fa: {  	_ =	swait.ge [sflag:s8], $0x180  }
0x2fb: {  	[sflag:s8] =	ssyncset.done $0x0  }
0x2fc: {  	[sflag:s8] =	ssyncadd.s32 $0xFFFFFE80  }
0x2fd: {  	[tilespmem:s4], [sflag:$0x2] =	stream.indirect.gather [spmem:s2], $0x80, s22, s9, $0xb8;
	[tilespmem:$0x16440] =	vst v63  }
0x2fe: {  	_ =	swait.ge [sflag:s5], $0xA000  }
0x2ff: {  	s10 =	sld [smem:$0x7F2]  }
0x300: {  	[sflag:s5] =	ssyncset.done $0x0  }
0x301: {  	[sflag:s5] =	ssyncadd.s32 $0xFFFF6000  }
0x302: {  	[hbm4b:s10+s1] =	stream.linear.scatter [tilespmem:s7], [sflag:$0x3], $0xA000, $0x38;
	[tilespmem:$0x16440] =	vst v63  }
0x303: {  	_ =	swait.ge [sflag:s3], $0xA000  }
0x304: {  	[sflag:s3] =	ssyncset.done $0x0  }
0x305: {  	[sflag:s3] =	ssyncadd.s32 $0xFFFF6000  }
0x306: {  	_ =	swait.ge [sflag:s8], $0x180  }
0x307: {  	[sflag:s8] =	ssyncset.done $0x0  }
0x308: {  	[sflag:s8] =	ssyncadd.s32 $0xFFFFFE80  }
0x309: {  	[tilespmem:s7], [sflag:$0x2] =	stream.indirect.gather [spmem:s2], $0x80, s21, s9, $0xb8;
	[tilespmem:$0x16440] =	vst v63  }
0x30a: {  	_ =	swait.ge [sflag:s5], $0xA000  }
0x30b: {  	s11 =	sld [smem:$0x7F3]  }
0x30c: {  	[sflag:s5] =	ssyncset.done $0x0  }
0x30d: {  	[sflag:s5] =	ssyncadd.s32 $0xFFFF6000  }
0x30e: {  	[hbm4b:s11+s1] =	stream.linear.scatter [tilespmem:s4], [sflag:$0x3], $0xA000, $0x38;
	[tilespmem:$0x16440] =	vst v63  }
0x30f: {  	_ =	swait.ge [sflag:s3], $0xA000  }
0x310: {  	[sflag:s3] =	ssyncset.done $0x0  }
0x311: {  	[sflag:s3] =	ssyncadd.s32 $0xFFFF6000  }
0x312: {  	_ =	swait.ge [sflag:s8], $0x180  }
0x313: {  	[sflag:s8] =	ssyncset.done $0x0  }
0x314: {  	[sflag:s8] =	ssyncadd.s32 $0xFFFFFE80  }
0x315: {  	[tilespmem:s4], [sflag:$0x2] =	stream.indirect.gather [spmem:s2], $0x80, s20, s9, $0xb8;
	[tilespmem:$0x16440] =	vst v63  }
0x316: {  	_ =	swait.ge [sflag:s5], $0xA000  }
0x317: {  	s21 =	sld [smem:$0x7F4]  }
0x318: {  	[sflag:s5] =	ssyncset.done $0x0  }
0x319: {  	[sflag:s5] =	ssyncadd.s32 $0xFFFF6000  }
0x31a: {  	[hbm4b:s21+s1] =	stream.linear.scatter [tilespmem:s7], [sflag:$0x3], $0xA000, $0x38;
	[tilespmem:$0x16440] =	vst v63  }
0x31b: {  	_ =	swait.ge [sflag:s3], $0xA000  }
0x31c: {  	[sflag:s3] =	ssyncset.done $0x0  }
0x31d: {  	[sflag:s3] =	ssyncadd.s32 $0xFFFF6000  }
0x31e: {  	_ =	swait.ge [sflag:s8], $0x180  }
0x31f: {  	[sflag:s8] =	ssyncset.done $0x0  }
0x320: {  	[sflag:s8] =	ssyncadd.s32 $0xFFFFFE80  }
0x321: {  	[tilespmem:s7], [sflag:$0x2] =	stream.indirect.gather [spmem:s2], $0x80, s19, s9, $0xb8;
	[tilespmem:$0x16440] =	vst v63  }
0x322: {  	_ =	swait.ge [sflag:s5], $0xA000  }
0x323: {  	s22 =	sld [smem:$0x7F5]  }
0x324: {  	[sflag:s5] =	ssyncset.done $0x0  }
0x325: {  	[sflag:s5] =	ssyncadd.s32 $0xFFFF6000  }
0x326: {  	[hbm4b:s22+s1] =	stream.linear.scatter [tilespmem:s4], [sflag:$0x3], $0xA000, $0x38;
	[tilespmem:$0x16440] =	vst v63  }
0x327: {  	_ =	swait.ge [sflag:s3], $0xA000  }
0x328: {  	[sflag:s3] =	ssyncset.done $0x0  }
0x329: {  	[sflag:s3] =	ssyncadd.s32 $0xFFFF6000  }
0x32a: {  	_ =	swait.ge [sflag:s8], $0x180  }
0x32b: {  	[sflag:s8] =	ssyncset.done $0x0  }
0x32c: {  	[sflag:s8] =	ssyncadd.s32 $0xFFFFFE80  }
0x32d: {  	[tilespmem:s4], [sflag:$0x2] =	stream.indirect.gather [spmem:s2], $0x80, s18, s9, $0xb8;
	[tilespmem:$0x16440] =	vst v63  }
0x32e: {  	_ =	swait.ge [sflag:s5], $0xA000  }
0x32f: {  	s23 =	sld [smem:$0x7F6]  }
0x330: {  	[sflag:s5] =	ssyncset.done $0x0  }
0x331: {  	[sflag:s5] =	ssyncadd.s32 $0xFFFF6000  }
0x332: {  	[hbm4b:s23+s1] =	stream.linear.scatter [tilespmem:s7], [sflag:$0x3], $0xA000, $0x38;
	[tilespmem:$0x16440] =	vst v63  }
0x333: {  	_ =	swait.ge [sflag:s3], $0xA000  }
0x334: {  	[sflag:s3] =	ssyncset.done $0x0  }
0x335: {  	[sflag:s3] =	ssyncadd.s32 $0xFFFF6000  }
0x336: {  	_ =	swait.ge [sflag:s8], $0x180  }
0x337: {  	[sflag:s8] =	ssyncset.done $0x0  }
0x338: {  	[sflag:s8] =	ssyncadd.s32 $0xFFFFFE80  }
0x339: {  	[tilespmem:s7], [sflag:$0x2] =	stream.indirect.gather [spmem:s2], $0x80, s17, s9, $0xb8;
	[tilespmem:$0x16440] =	vst v63  }
0x33a: {  	_ =	swait.ge [sflag:s5], $0xA000  }
0x33b: {  	s24 =	sld [smem:$0x7F7]  }
0x33c: {  	[sflag:s5] =	ssyncset.done $0x0  }
0x33d: {  	[sflag:s5] =	ssyncadd.s32 $0xFFFF6000  }
0x33e: {  	[hbm4b:s24+s1] =	stream.linear.scatter [tilespmem:s4], [sflag:$0x3], $0xA000, $0x38;
	[tilespmem:$0x16440] =	vst v63  }
0x33f: {  	_ =	swait.ge [sflag:s3], $0xA000  }
0x340: {  	[sflag:s3] =	ssyncset.done $0x0  }
0x341: {  	[sflag:s3] =	ssyncadd.s32 $0xFFFF6000  }
0x342: {  	_ =	swait.ge [sflag:s8], $0x180  }
0x343: {  	[sflag:s8] =	ssyncset.done $0x0  }
0x344: {  	[sflag:s8] =	ssyncadd.s32 $0xFFFFFE80  }
0x345: {  	[tilespmem:s4], [sflag:$0x2] =	stream.indirect.gather [spmem:s2], $0x80, s16, s9, $0xb8;
	[tilespmem:$0x16440] =	vst v63  }
0x346: {  	_ =	swait.ge [sflag:s5], $0xA000  }
0x347: {  	s25 =	sld [smem:$0x7F8]  }
0x348: {  	[sflag:s5] =	ssyncset.done $0x0  }
0x349: {  	[sflag:s5] =	ssyncadd.s32 $0xFFFF6000  }
0x34a: {  	[hbm4b:s25+s1] =	stream.linear.scatter [tilespmem:s7], [sflag:$0x3], $0xA000, $0x38;
	[tilespmem:$0x16440] =	vst v63  }
0x34b: {  	_ =	swait.ge [sflag:s3], $0xA000  }
0x34c: {  	[sflag:s3] =	ssyncset.done $0x0  }
0x34d: {  	[sflag:s3] =	ssyncadd.s32 $0xFFFF6000  }
0x34e: {  	_ =	swait.ge [sflag:s8], $0x180  }
0x34f: {  	[sflag:s8] =	ssyncset.done $0x0  }
0x350: {  	[sflag:s8] =	ssyncadd.s32 $0xFFFFFE80  }
0x351: {  	[tilespmem:s7], [sflag:$0x2] =	stream.indirect.gather [spmem:s2], $0x80, s15, s9, $0xb8;
	[tilespmem:$0x16440] =	vst v63  }
0x352: {  	_ =	swait.ge [sflag:s5], $0xA000  }
0x353: {  	s26 =	sld [smem:$0x7F9]  }
0x354: {  	[sflag:s5] =	ssyncset.done $0x0  }
0x355: {  	[sflag:s5] =	ssyncadd.s32 $0xFFFF6000  }
0x356: {  	[hbm4b:s26+s1] =	stream.linear.scatter [tilespmem:s4], [sflag:$0x3], $0xA000, $0x38;
	[tilespmem:$0x16440] =	vst v63  }
0x357: {  	_ =	swait.ge [sflag:s3], $0xA000  }
0x358: {  	[sflag:s3] =	ssyncset.done $0x0  }
0x359: {  	[sflag:s3] =	ssyncadd.s32 $0xFFFF6000  }
0x35a: {  	_ =	swait.ge [sflag:s8], $0x180  }
0x35b: {  	[sflag:s8] =	ssyncset.done $0x0  }
0x35c: {  	[sflag:s8] =	ssyncadd.s32 $0xFFFFFE80  }
0x35d: {  	[tilespmem:s4], [sflag:$0x2] =	stream.indirect.gather [spmem:s2], $0x80, s14, s9, $0xb8;
	[tilespmem:$0x16440] =	vst v63  }
0x35e: {  	_ =	swait.ge [sflag:s5], $0xA000  }
0x35f: {  	s28 =	sld [smem:$0x7FA]  }
0x360: {  	[sflag:s5] =	ssyncset.done $0x0  }
0x361: {  	[sflag:s5] =	ssyncadd.s32 $0xFFFF6000  }
0x362: {  	[hbm4b:s28+s1] =	stream.linear.scatter [tilespmem:s7], [sflag:$0x3], $0xA000, $0x38;
	[tilespmem:$0x16440] =	vst v63  }
0x363: {  	_ =	swait.ge [sflag:s3], $0xA000  }
0x364: {  	[sflag:s3] =	ssyncset.done $0x0  }
0x365: {  	[sflag:s3] =	ssyncadd.s32 $0xFFFF6000  }
0x366: {  	_ =	swait.ge [sflag:s8], $0x180  }
0x367: {  	[sflag:s8] =	ssyncset.done $0x0  }
0x368: {  	[sflag:s8] =	ssyncadd.s32 $0xFFFFFE80  }
0x369: {  	[tilespmem:s7], [sflag:$0x2] =	stream.indirect.gather [spmem:s2], $0x80, s13, s9, $0xb8;
	[tilespmem:$0x16440] =	vst v63  }
0x36a: {  	_ =	swait.ge [sflag:s5], $0xA000  }
0x36b: {  	s29 =	sld [smem:$0x7FB]  }
0x36c: {  	[sflag:s5] =	ssyncset.done $0x0  }
0x36d: {  	[sflag:s5] =	ssyncadd.s32 $0xFFFF6000  }
0x36e: {  	[hbm4b:s29+s1] =	stream.linear.scatter [tilespmem:s4], [sflag:$0x3], $0xA000, $0x38;
	[tilespmem:$0x16440] =	vst v63  }
0x36f: {  	_ =	swait.ge [sflag:s3], $0xA000  }
0x370: {  	[sflag:s3] =	ssyncset.done $0x0  }
0x371: {  	[sflag:s3] =	ssyncadd.s32 $0xFFFF6000  }
0x372: {  	_ =	swait.ge [sflag:s8], $0x180  }
0x373: {  	[sflag:s8] =	ssyncset.done $0x0  }
0x374: {  	[sflag:s8] =	ssyncadd.s32 $0xFFFFFE80  }
0x375: {  	[tilespmem:s4], [sflag:$0x2] =	stream.indirect.gather [spmem:s2], $0x80, s12, s9, $0xb8;
	[tilespmem:$0x16440] =	vst v63  }
0x376: {  	_ =	swait.ge [sflag:s5], $0xA000  }
0x377: {  	s30 =	sld [smem:$0x7FC]  }
0x378: {  	[sflag:s5] =	ssyncset.done $0x0  }
0x379: {  	[sflag:s5] =	ssyncadd.s32 $0xFFFF6000  }
0x37a: {  	[hbm4b:s30+s1] =	stream.linear.scatter [tilespmem:s7], [sflag:$0x3], $0xA000, $0x38;
	[tilespmem:$0x16440] =	vst v63  }
0x37b: {  	_ =	swait.ge [sflag:s5], $0xA000  }
0x37c: {  	s31 =	sld [smem:$0x7FD]  }
0x37d: {  	[sflag:s5] =	ssyncset.done $0x0  }
0x37e: {  	[sflag:s5] =	ssyncadd.s32 $0xFFFF6000  }
0x37f: {  	[hbm4b:s31+s1] =	stream.linear.scatter [tilespmem:s4], [sflag:$0x3], $0xA000, $0x38;
	[tilespmem:$0x16440] =	vst v63  }
0x380: {  	_ =	swait.ge [sflag:s3], $0xA000  }
0x381: {  	[sflag:s3] =	ssyncset.done $0x0  }
0x382: {  	[sflag:s3] =	ssyncadd.s32 $0xFFFF6000  }
0x383: {  	_ =	swait.ge [sflag:s3], $0xA000  }
0x384: {  	[sflag:s3] =	ssyncset.done $0x0  }
0x385: {  	[sflag:s3] =	ssyncadd.s32 $0xFFFF6000  }
0x386: {  	_ =	sfence.sel $0x180000  }
0x387: {  	[bflag:$0x0] =	sbarrier.arrive $0xFFFF  }
0x388: {  	_ =	strace $0x90000047  }
0x389: {  	[bflag:$0x2] =	sbarrier.arrive $0xFFFF  }
0x38a: {  	s0 =	rddreg [dreg:$0x4]  }
0x38b: {  	s0 =	sadd.s32 @!p0 $0x100000, s0  }
0x38c: {  	[sflag:s0] =	ssyncadd.tile.s32 @!p0 $0x1;
	_ =	shalt  }
.LBB2_2:
.Ltmp3:
0x38d: {  	(pc) =	sbr.rel .LBB2_5-.Ltmp3, $2  }
0x38e: {  	_ =	sdelay $0x2  }
0x38f: {  	s10 =	sld [smem:$0x7EE]  }
.Lfunc_end2:
_tile_overlayer_lowered:
.L_overlay_start_2:
0x390: {  	(tag) =	ssettag $0x2  }
0x391: {  	s0 =	rddreg [dreg:$0x0];
	s2 =	stileid.u32  }
0x392: {  	s1 =	rddreg [dreg:$0x1];
	p0 =	sne.s32 s2, $0x0  }
0x393: {  	s3 =	rddreg [dreg:$0x2];
	[bflag:$0x3] =	sbarrier.arrive $0xFFFF;
	s2 =	simm.s32 @!p0 $0x1C04  }
0x394: {  	[timem:s3], [sflag:s2] =	dma.local @!p0 [hbm:s0], s1  }
0x395: {  	s0 =	simm.s32 @!p0 $0x4  }
0x396: {  	_ =	swait.ge @!p0 [sflag:s0], s1  }
0x397: {  	s1 =	ssub.s32 @!p0 $0x0, s1;
	[sflag:s0] =	ssyncset.done @!p0 $0x0  }
0x398: {  	[sflag:s0] =	ssyncadd.s32 @!p0 s1  }
0x399: {  	[bflag:$0x3] =	sbarrier.arrive $0xFFFF  }
0x39a: {  	_ =	shalt  }

</sc_bundles>
